<compile_context>
chip_gen: v7x
topology: tpu7x:2x2x1
jax: 0.10.2.dev20260603
libtpu: 0.0.44.dev20260713+nightly
codegen_flags: <defaults>
</compile_context>

<pallas_src>
import functools

import jax
import jax.numpy as jnp
from jax import lax
from jax.experimental import pallas as pl
from jax.experimental.pallas import tpu as pltpu
from jax.experimental.pallas import tpu_sc as plsc

_B = 16384
_D = 32
_NW = 32
_BPW = _B // _NW
_L = 16
_WAVE = 4
_TC = 128
_NG = _BPW // _L


def _sc_kernel(uidx_hbm, iidx_hbm, utab_hbm, itab_hbm, wvec_hbm, bvec_hbm,
               out_hbm,
               uidx_v, iidx_v, ub0, ib0, ub1, ib1, wv, bv, out_v,
               su0, si0, su1, si1):
    nc = 2
    wid = lax.axis_index("s") * nc + lax.axis_index("c")
    base = wid * _BPW

    pltpu.sync_copy(uidx_hbm.at[pl.ds(base, _BPW)], uidx_v.at[pl.ds(0, _BPW)])
    pltpu.sync_copy(iidx_hbm.at[pl.ds(base, _BPW)], iidx_v.at[pl.ds(0, _BPW)])
    pltpu.sync_copy(wvec_hbm, wv)
    pltpu.sync_copy(bvec_hbm, bv)

    bias = bv[pl.ds(0, _L)]
    wlo = wv[pl.ds(0, _L)]
    whi = wv[pl.ds(_L, _L)]
    dlane = lax.iota(jnp.int32, _L)
    zero = jnp.zeros((_L,), jnp.float32)

    def fire4(ucolv, icolv, lb, pu, pi, su, si):
        for j0 in range(_WAVE):
            cu = pl.multiple_of(ucolv[lb + j0], _TC)
            ci = pl.multiple_of(icolv[lb + j0], _TC)
            pltpu.async_copy(utab_hbm.at[:, pl.ds(cu, _TC)],
                             pu.at[:, pl.ds(j0 * _TC, _TC)], su)
            pltpu.async_copy(itab_hbm.at[:, pl.ds(ci, _TC)],
                             pi.at[:, pl.ds(j0 * _TC, _TC)], si)

    def drain(pu, pi, su, si):
        pltpu.make_async_copy(utab_hbm.at[:, pl.ds(0, _WAVE * _TC)],
                              pu, su).wait()
        pltpu.make_async_copy(itab_hbm.at[:, pl.ds(0, _WAVE * _TC)],
                              pi, si).wait()

    def compute4(pu, pi, ulanev, ilanev, lb, acc):
        for j0 in range(_WAVE):
            j = lb + j0
            cu = jnp.full((_L,), j0 * _TC + ulanev[j], jnp.int32)
            ci = jnp.full((_L,), j0 * _TC + ilanev[j], jnp.int32)
            u0 = plsc.load_gather(pu, [dlane, cu])
            u1 = plsc.load_gather(pu, [dlane + _L, cu])
            v0 = plsc.load_gather(pi, [dlane, ci])
            v1 = plsc.load_gather(pi, [dlane + _L, ci])
            s = jnp.sum(u0 * v0 * wlo + u1 * v1 * whi)
            acc = jnp.where(dlane == j,
                            jnp.full((_L,), s, jnp.float32), acc)
        return acc

    def cols(vec):
        return (vec >> 7) << 7

    uvec0 = uidx_v[pl.ds(0, _L)]
    ivec0 = iidx_v[pl.ds(0, _L)]
    fire4(cols(uvec0), cols(ivec0), 0, ub0, ib0, su0, si0)

    def group_body(g, carry):
        i0 = g * _L
        uvec = uidx_v[pl.ds(i0, _L)]
        ivec = iidx_v[pl.ds(i0, _L)]
        ucol = cols(uvec)
        icol = cols(ivec)
        ulane = uvec & 127
        ilane = ivec & 127
        nuvec = uidx_v[pl.ds(i0 + _L, _L)]
        nivec = iidx_v[pl.ds(i0 + _L, _L)]
        nucol = cols(nuvec)
        nicol = cols(nivec)

        acc = zero
        fire4(ucol, icol, 4, ub1, ib1, su1, si1)
        drain(ub0, ib0, su0, si0)
        acc = compute4(ub0, ib0, ulane, ilane, 0, acc)

        fire4(ucol, icol, 8, ub0, ib0, su0, si0)
        drain(ub1, ib1, su1, si1)
        acc = compute4(ub1, ib1, ulane, ilane, 4, acc)

        fire4(ucol, icol, 12, ub1, ib1, su1, si1)
        drain(ub0, ib0, su0, si0)
        acc = compute4(ub0, ib0, ulane, ilane, 8, acc)

        @pl.when(g < _NG - 1)
        def _fire_next():
            fire4(nucol, nicol, 0, ub0, ib0, su0, si0)

        drain(ub1, ib1, su1, si1)
        acc = compute4(ub1, ib1, ulane, ilane, 12, acc)

        acc = acc + bias
        out_v[pl.ds(i0, _L)] = 1.0 / (1.0 + jnp.exp(-acc))
        return carry

    lax.fori_loop(0, _NG, group_body, 0)

    pltpu.sync_copy(out_v, out_hbm.at[pl.ds(base, _BPW)])


@jax.jit
def _run(uidx, iidx, utab_t, itab_t, wvec, bvec):
    mesh = plsc.VectorSubcoreMesh(core_axis_name="c", subcore_axis_name="s")
    f = functools.partial(
        pl.kernel,
        out_type=jax.ShapeDtypeStruct((_B,), jnp.float32),
        mesh=mesh,
        compiler_params=pltpu.CompilerParams(
            needs_layout_passes=False, disable_bounds_checks=True),
        scratch_types=[
            pltpu.VMEM((_BPW + _L,), jnp.int32),
            pltpu.VMEM((_BPW + _L,), jnp.int32),
            pltpu.VMEM((_D, _WAVE * _TC), jnp.float32),
            pltpu.VMEM((_D, _WAVE * _TC), jnp.float32),
            pltpu.VMEM((_D, _WAVE * _TC), jnp.float32),
            pltpu.VMEM((_D, _WAVE * _TC), jnp.float32),
            pltpu.VMEM((_D,), jnp.float32),
            pltpu.VMEM((_L,), jnp.float32),
            pltpu.VMEM((_BPW,), jnp.float32),
            pltpu.SemaphoreType.DMA,
            pltpu.SemaphoreType.DMA,
            pltpu.SemaphoreType.DMA,
            pltpu.SemaphoreType.DMA,
        ],
    )(_sc_kernel)
    return f(uidx, iidx, utab_t, itab_t, wvec, bvec)


def kernel(user_indices, item_indices, user_table, item_table, W, b):
    uidx = user_indices.astype(jnp.int32)
    iidx = item_indices.astype(jnp.int32)
    utab_t = user_table.T
    itab_t = item_table.T
    wvec = W.reshape(_D).astype(jnp.float32)
    bvec = jnp.broadcast_to(b.astype(jnp.float32).reshape(1), (_L,))
    return _run(uidx, iidx, utab_t, itab_t, wvec, bvec)

# --- scband reference (transcript-rebuilt; emitter-appended) ---
"""Pipeline reference for scband-grouping-90177133347637 (READ-ONLY COPY).

The authoritative reference and input builder live on the scoring server;
editing this copy changes nothing except your own understanding.
"""

import jax, jax.numpy as jnp
import numpy as np

NUM_ITEMS = 1000000
LATENT_DIM = 32
NUM_FRIENDS = 100000
BATCH = 16384


def setup_inputs(seed: int = 0) -> dict:
    key = jax.random.key(seed)
    k1, k2, k3, k4, k5 = jax.random.split(key, 5)
    user_indices = jax.random.randint(k1, (BATCH,), 0, NUM_FRIENDS).astype(jnp.int64) if jax.config.jax_enable_x64 else jax.random.randint(k1, (BATCH,), 0, NUM_FRIENDS)
    item_indices = jax.random.randint(k2, (BATCH,), 0, NUM_ITEMS)
    user_table = jax.random.normal(k3, (NUM_FRIENDS + 1, LATENT_DIM), dtype=jnp.float32) * 0.01
    # padding_idx row (last row) initialized to zero, matching torch padding_idx behavior
    user_table = user_table.at[NUM_FRIENDS].set(0.0)
    item_table = jax.random.normal(k4, (NUM_ITEMS, LATENT_DIM), dtype=jnp.float32) * 0.01
    W = jax.random.normal(k5, (LATENT_DIM, 1), dtype=jnp.float32) * 0.1
    b = jnp.zeros((1,), dtype=jnp.float32)
    return {
        "user_indices": user_indices,
        "item_indices": item_indices,
        "user_table": user_table,
        "item_table": item_table,
        "W": W,
        "b": b,
    }


def reference(user_indices, item_indices, user_table, item_table, W, b):
    user_embedding = jnp.take(user_table, user_indices, axis=0)   # [B, D] gather
    item_embedding = jnp.take(item_table, item_indices, axis=0)   # [B, D] gather
    element_product = user_embedding * item_embedding             # [B, D]
    logits = element_product @ W + b                              # [B, 1]
    score = jax.nn.sigmoid(logits)
    return jnp.squeeze(score)

if __name__ == "__main__":
    import jax
    _d = setup_inputs()
    print(jax.jit(kernel)(*tuple(_d.values())))

</pallas_src>

<mosaic_0001>
#map = affine_map<(d0, d1) -> (0)>
#map1 = affine_map<(d0, d1) -> (0, 0)>
module attributes {stable_mosaic.version = 14 : i64} {
  func.func @_sc_kernel(%arg0: i32, %arg1: i32, %arg2: memref<16384xi32, #tpu.memory_space<hbm>>, %arg3: memref<16384xi32, #tpu.memory_space<hbm>>, %arg4: memref<32x100001xf32, #tpu.memory_space<hbm>>, %arg5: memref<32x1000000xf32, #tpu.memory_space<hbm>>, %arg6: memref<32xf32, #tpu.memory_space<hbm>>, %arg7: memref<16xf32, #tpu.memory_space<hbm>>, %arg8: memref<16384xf32, #tpu.memory_space<hbm>>, %arg9: memref<528xi32, #tpu.memory_space<vmem>>, %arg10: memref<528xi32, #tpu.memory_space<vmem>>, %arg11: memref<32x512xf32, #tpu.memory_space<vmem>>, %arg12: memref<32x512xf32, #tpu.memory_space<vmem>>, %arg13: memref<32x512xf32, #tpu.memory_space<vmem>>, %arg14: memref<32x512xf32, #tpu.memory_space<vmem>>, %arg15: memref<32xf32, #tpu.memory_space<vmem>>, %arg16: memref<16xf32, #tpu.memory_space<vmem>>, %arg17: memref<512xf32, #tpu.memory_space<vmem>>, %arg18: memref<!tpu.dma_semaphore, #tpu.memory_space<semaphore_mem>>, %arg19: memref<!tpu.dma_semaphore, #tpu.memory_space<semaphore_mem>>, %arg20: memref<!tpu.dma_semaphore, #tpu.memory_space<semaphore_mem>>, %arg21: memref<!tpu.dma_semaphore, #tpu.memory_space<semaphore_mem>>) attributes {dimension_semantics = [#tpu.dimension_semantics<core_parallel>, #tpu.dimension_semantics<subcore_parallel>], iteration_bounds = array<i64: 2, 16>, scalar_prefetch = 0 : i64, scratch_operands = 13 : i64, tpu.core_type = #tpu.core_type<sc_vector_subcore>, window_params = [{transform_indices = #map}, {transform_indices = #map}, {transform_indices = #map1}, {transform_indices = #map1}, {transform_indices = #map}, {transform_indices = #map}, {transform_indices = #map}]} {
    %mul3A = arith.constant 2 : i32
    %mul3A_0 = arith.muli %arg1, %mul3A : i32
    %add3A = arith.addi %mul3A_0, %arg0 : i32
    %mul3A_1 = arith.constant 512 : i32
    %mul3A_2 = arith.muli %add3A, %mul3A_1 : i32
    "tpu.region"() ({
      %run_scoped3A = tpu.sem_alloc : memref<!tpu.dma_semaphore, #tpu.memory_space<semaphore_mem>>
      %dma_start3A_128 = arith.constant 0 : i32
      %dma_start3A_129 = tpu.memref_slice %arg9[%dma_start3A_128] : memref<528xi32, #tpu.memory_space<vmem>> -> memref<512xi32, #tpu.memory_space<vmem>>
      %dma_start3A_130 = tpu.memref_slice %arg2[%mul3A_2] : memref<16384xi32, #tpu.memory_space<hbm>> -> memref<512xi32, #tpu.memory_space<hbm>>
      %dma_start3A_131 = arith.constant 0 : i32
      %dma_start3A_132 = tpu.memref_slice %arg9[%dma_start3A_131] : memref<528xi32, #tpu.memory_space<vmem>> -> memref<512xi32, #tpu.memory_space<vmem>>
      %dma_start3A_133 = tpu.memref_slice %arg2[%mul3A_2] : memref<16384xi32, #tpu.memory_space<hbm>> -> memref<512xi32, #tpu.memory_space<hbm>>
      tpu.enqueue_dma source(%dma_start3A_133 : memref<512xi32, #tpu.memory_space<hbm>>) target(%dma_start3A_132 : memref<512xi32, #tpu.memory_space<vmem>>) target_semaphore(%run_scoped3A : memref<!tpu.dma_semaphore, #tpu.memory_space<semaphore_mem>>)
      %dma_wait3A = arith.constant 0 : i32
      %dma_wait3A_134 = tpu.memref_slice %arg9[%dma_wait3A] : memref<528xi32, #tpu.memory_space<vmem>> -> memref<512xi32, #tpu.memory_space<vmem>>
      %dma_wait3A_135 = tpu.memref_slice %arg2[%mul3A_2] : memref<16384xi32, #tpu.memory_space<hbm>> -> memref<512xi32, #tpu.memory_space<hbm>>
      %dma_wait3A_136 = arith.constant 0 : i32
      %dma_wait3A_137 = tpu.memref_slice %arg9[%dma_wait3A_136] : memref<528xi32, #tpu.memory_space<vmem>> -> memref<512xi32, #tpu.memory_space<vmem>>
      %dma_wait3A_138 = tpu.memref_slice %arg2[%mul3A_2] : memref<16384xi32, #tpu.memory_space<hbm>> -> memref<512xi32, #tpu.memory_space<hbm>>
      tpu.wait_dma2 semaphore(%run_scoped3A : memref<!tpu.dma_semaphore, #tpu.memory_space<semaphore_mem>>) src(%dma_wait3A_138 : memref<512xi32, #tpu.memory_space<hbm>>) dst(%dma_wait3A_137 : memref<512xi32, #tpu.memory_space<vmem>>)
      tpu.yield
    }) : () -> ()
    "tpu.region"() ({
      %run_scoped3A = tpu.sem_alloc : memref<!tpu.dma_semaphore, #tpu.memory_space<semaphore_mem>>
      %dma_start3A_128 = arith.constant 0 : i32
      %dma_start3A_129 = tpu.memref_slice %arg10[%dma_start3A_128] : memref<528xi32, #tpu.memory_space<vmem>> -> memref<512xi32, #tpu.memory_space<vmem>>
      %dma_start3A_130 = tpu.memref_slice %arg3[%mul3A_2] : memref<16384xi32, #tpu.memory_space<hbm>> -> memref<512xi32, #tpu.memory_space<hbm>>
      %dma_start3A_131 = arith.constant 0 : i32
      %dma_start3A_132 = tpu.memref_slice %arg10[%dma_start3A_131] : memref<528xi32, #tpu.memory_space<vmem>> -> memref<512xi32, #tpu.memory_space<vmem>>
      %dma_start3A_133 = tpu.memref_slice %arg3[%mul3A_2] : memref<16384xi32, #tpu.memory_space<hbm>> -> memref<512xi32, #tpu.memory_space<hbm>>
      tpu.enqueue_dma source(%dma_start3A_133 : memref<512xi32, #tpu.memory_space<hbm>>) target(%dma_start3A_132 : memref<512xi32, #tpu.memory_space<vmem>>) target_semaphore(%run_scoped3A : memref<!tpu.dma_semaphore, #tpu.memory_space<semaphore_mem>>)
      %dma_wait3A = arith.constant 0 : i32
      %dma_wait3A_134 = tpu.memref_slice %arg10[%dma_wait3A] : memref<528xi32, #tpu.memory_space<vmem>> -> memref<512xi32, #tpu.memory_space<vmem>>
      %dma_wait3A_135 = tpu.memref_slice %arg3[%mul3A_2] : memref<16384xi32, #tpu.memory_space<hbm>> -> memref<512xi32, #tpu.memory_space<hbm>>
      %dma_wait3A_136 = arith.constant 0 : i32
      %dma_wait3A_137 = tpu.memref_slice %arg10[%dma_wait3A_136] : memref<528xi32, #tpu.memory_space<vmem>> -> memref<512xi32, #tpu.memory_space<vmem>>
      %dma_wait3A_138 = tpu.memref_slice %arg3[%mul3A_2] : memref<16384xi32, #tpu.memory_space<hbm>> -> memref<512xi32, #tpu.memory_space<hbm>>
      tpu.wait_dma2 semaphore(%run_scoped3A : memref<!tpu.dma_semaphore, #tpu.memory_space<semaphore_mem>>) src(%dma_wait3A_138 : memref<512xi32, #tpu.memory_space<hbm>>) dst(%dma_wait3A_137 : memref<512xi32, #tpu.memory_space<vmem>>)
      tpu.yield
    }) : () -> ()
    "tpu.region"() ({
      %run_scoped3A = tpu.sem_alloc : memref<!tpu.dma_semaphore, #tpu.memory_space<semaphore_mem>>
      tpu.enqueue_dma source(%arg6 : memref<32xf32, #tpu.memory_space<hbm>>) target(%arg15 : memref<32xf32, #tpu.memory_space<vmem>>) target_semaphore(%run_scoped3A : memref<!tpu.dma_semaphore, #tpu.memory_space<semaphore_mem>>)
      tpu.wait_dma2 semaphore(%run_scoped3A : memref<!tpu.dma_semaphore, #tpu.memory_space<semaphore_mem>>) src(%arg6 : memref<32xf32, #tpu.memory_space<hbm>>) dst(%arg15 : memref<32xf32, #tpu.memory_space<vmem>>)
      tpu.yield
    }) : () -> ()
    "tpu.region"() ({
      %run_scoped3A = tpu.sem_alloc : memref<!tpu.dma_semaphore, #tpu.memory_space<semaphore_mem>>
      tpu.enqueue_dma source(%arg7 : memref<16xf32, #tpu.memory_space<hbm>>) target(%arg16 : memref<16xf32, #tpu.memory_space<vmem>>) target_semaphore(%run_scoped3A : memref<!tpu.dma_semaphore, #tpu.memory_space<semaphore_mem>>)
      tpu.wait_dma2 semaphore(%run_scoped3A : memref<!tpu.dma_semaphore, #tpu.memory_space<semaphore_mem>>) src(%arg7 : memref<16xf32, #tpu.memory_space<hbm>>) dst(%arg16 : memref<16xf32, #tpu.memory_space<vmem>>)
      tpu.yield
    }) : () -> ()
    %get3A = arith.constant 0 : index
    %get3A_3 = tpu.vector_load %arg16[%get3A] {strides = array<i32>} : memref<16xf32, #tpu.memory_space<vmem>>, vector<16xf32>,
    %get3A_4 = arith.constant 0 : index
    %get3A_5 = tpu.vector_load %arg15[%get3A_4] {strides = array<i32>} : memref<32xf32, #tpu.memory_space<vmem>>, vector<16xf32>,
    %get3A_6 = arith.constant 16 : index
    %get3A_7 = tpu.vector_load %arg15[%get3A_6] {strides = array<i32>} : memref<32xf32, #tpu.memory_space<vmem>>, vector<16xf32>,
    %iota3A = tpu.iota {dimensions = array<i32: 0>} : vector<16xi32>
    %broadcast_in_dim3A = arith.constant 0.000000e+00 : f32
    %broadcast_in_dim3A_8 = vector.broadcast %broadcast_in_dim3A : f32 to vector<16xf32>
    %get3A_9 = arith.constant 0 : index
    %get3A_10 = tpu.vector_load %arg9[%get3A_9] {strides = array<i32>} : memref<528xi32, #tpu.memory_space<vmem>>, vector<16xi32>,
    %get3A_11 = arith.constant 0 : index
    %get3A_12 = tpu.vector_load %arg10[%get3A_11] {strides = array<i32>} : memref<528xi32, #tpu.memory_space<vmem>>, vector<16xi32>,
    %shift_right_arithmetic3A = arith.constant 7 : i32
    %shift_right_arithmetic3A_13 = vector.broadcast %shift_right_arithmetic3A : i32 to vector<16xi32>
    %shift_right_arithmetic3A_14 = arith.shrsi %get3A_10, %shift_right_arithmetic3A_13 : vector<16xi32>
    %shift_left3A = arith.constant 7 : i32
    %shift_left3A_15 = vector.broadcast %shift_left3A : i32 to vector<16xi32>
    %shift_left3A_16 = arith.shli %shift_right_arithmetic3A_14, %shift_left3A_15 : vector<16xi32>
    %shift_right_arithmetic3A_17 = arith.constant 7 : i32
    %shift_right_arithmetic3A_18 = vector.broadcast %shift_right_arithmetic3A_17 : i32 to vector<16xi32>
    %shift_right_arithmetic3A_19 = arith.shrsi %get3A_12, %shift_right_arithmetic3A_18 : vector<16xi32>
    %shift_left3A_20 = arith.constant 7 : i32
    %shift_left3A_21 = vector.broadcast %shift_left3A_20 : i32 to vector<16xi32>
    %shift_left3A_22 = arith.shli %shift_right_arithmetic3A_19, %shift_left3A_21 : vector<16xi32>
    %slice3A = vector.extract_strided_slice %shift_left3A_16 {offsets = [0], sizes = [1], strides = [1]} : vector<16xi32> to vector<1xi32>
    %squeeze3A = vector.extract %slice3A[0] : i32 from vector<1xi32>
    %multiple_of3A = tpu.assume_multiple %squeeze3A, 128 : i32
    %slice3A_23 = vector.extract_strided_slice %shift_left3A_22 {offsets = [0], sizes = [1], strides = [1]} : vector<16xi32> to vector<1xi32>
    %squeeze3A_24 = vector.extract %slice3A_23[0] : i32 from vector<1xi32>
    %multiple_of3A_25 = tpu.assume_multiple %squeeze3A_24, 128 : i32
    %dma_start3A = arith.constant 0 : i32
    %dma_start3A_26 = arith.constant 0 : i32
    %dma_start3A_27 = tpu.memref_slice %arg11[%dma_start3A, %dma_start3A_26] : memref<32x512xf32, #tpu.memory_space<vmem>> -> memref<32x128xf32, #tpu.memory_space<vmem>>
    %dma_start3A_28 = arith.constant 0 : i32
    %dma_start3A_29 = tpu.memref_slice %arg4[%dma_start3A_28, %multiple_of3A] : memref<32x100001xf32, #tpu.memory_space<hbm>> -> memref<32x128xf32, #tpu.memory_space<hbm>>
    %dma_start3A_30 = arith.constant 0 : i32
    %dma_start3A_31 = arith.constant 0 : i32
    %dma_start3A_32 = tpu.memref_slice %arg11[%dma_start3A_30, %dma_start3A_31] : memref<32x512xf32, #tpu.memory_space<vmem>> -> memref<32x128xf32, #tpu.memory_space<vmem>>
    %dma_start3A_33 = arith.constant 0 : i32
    %dma_start3A_34 = tpu.memref_slice %arg4[%dma_start3A_33, %multiple_of3A] : memref<32x100001xf32, #tpu.memory_space<hbm>> -> memref<32x128xf32, #tpu.memory_space<hbm>>
    tpu.enqueue_dma source(%dma_start3A_34 : memref<32x128xf32, #tpu.memory_space<hbm>>) target(%dma_start3A_32 : memref<32x128xf32, #tpu.memory_space<vmem>>) target_semaphore(%arg18 : memref<!tpu.dma_semaphore, #tpu.memory_space<semaphore_mem>>)
    %dma_start3A_35 = arith.constant 0 : i32
    %dma_start3A_36 = arith.constant 0 : i32
    %dma_start3A_37 = tpu.memref_slice %arg12[%dma_start3A_35, %dma_start3A_36] : memref<32x512xf32, #tpu.memory_space<vmem>> -> memref<32x128xf32, #tpu.memory_space<vmem>>
    %dma_start3A_38 = arith.constant 0 : i32
    %dma_start3A_39 = tpu.memref_slice %arg5[%dma_start3A_38, %multiple_of3A_25] : memref<32x1000000xf32, #tpu.memory_space<hbm>> -> memref<32x128xf32, #tpu.memory_space<hbm>>
    %dma_start3A_40 = arith.constant 0 : i32
    %dma_start3A_41 = arith.constant 0 : i32
    %dma_start3A_42 = tpu.memref_slice %arg12[%dma_start3A_40, %dma_start3A_41] : memref<32x512xf32, #tpu.memory_space<vmem>> -> memref<32x128xf32, #tpu.memory_space<vmem>>
    %dma_start3A_43 = arith.constant 0 : i32
    %dma_start3A_44 = tpu.memref_slice %arg5[%dma_start3A_43, %multiple_of3A_25] : memref<32x1000000xf32, #tpu.memory_space<hbm>> -> memref<32x128xf32, #tpu.memory_space<hbm>>
    tpu.enqueue_dma source(%dma_start3A_44 : memref<32x128xf32, #tpu.memory_space<hbm>>) target(%dma_start3A_42 : memref<32x128xf32, #tpu.memory_space<vmem>>) target_semaphore(%arg19 : memref<!tpu.dma_semaphore, #tpu.memory_space<semaphore_mem>>)
    %slice3A_45 = vector.extract_strided_slice %shift_left3A_16 {offsets = [1], sizes = [1], strides = [1]} : vector<16xi32> to vector<1xi32>
    %squeeze3A_46 = vector.extract %slice3A_45[0] : i32 from vector<1xi32>
    %multiple_of3A_47 = tpu.assume_multiple %squeeze3A_46, 128 : i32
    %slice3A_48 = vector.extract_strided_slice %shift_left3A_22 {offsets = [1], sizes = [1], strides = [1]} : vector<16xi32> to vector<1xi32>
    %squeeze3A_49 = vector.extract %slice3A_48[0] : i32 from vector<1xi32>
    %multiple_of3A_50 = tpu.assume_multiple %squeeze3A_49, 128 : i32
    %dma_start3A_51 = arith.constant 0 : i32
    %dma_start3A_52 = arith.constant 128 : i32
    %dma_start3A_53 = tpu.memref_slice %arg11[%dma_start3A_51, %dma_start3A_52] : memref<32x512xf32, #tpu.memory_space<vmem>> -> memref<32x128xf32, #tpu.memory_space<vmem>>
    %dma_start3A_54 = arith.constant 0 : i32
    %dma_start3A_55 = tpu.memref_slice %arg4[%dma_start3A_54, %multiple_of3A_47] : memref<32x100001xf32, #tpu.memory_space<hbm>> -> memref<32x128xf32, #tpu.memory_space<hbm>>
    %dma_start3A_56 = arith.constant 0 : i32
    %dma_start3A_57 = arith.constant 128 : i32
    %dma_start3A_58 = tpu.memref_slice %arg11[%dma_start3A_56, %dma_start3A_57] : memref<32x512xf32, #tpu.memory_space<vmem>> -> memref<32x128xf32, #tpu.memory_space<vmem>>
    %dma_start3A_59 = arith.constant 0 : i32
    %dma_start3A_60 = tpu.memref_slice %arg4[%dma_start3A_59, %multiple_of3A_47] : memref<32x100001xf32, #tpu.memory_space<hbm>> -> memref<32x128xf32, #tpu.memory_space<hbm>>
    tpu.enqueue_dma source(%dma_start3A_60 : memref<32x128xf32, #tpu.memory_space<hbm>>) target(%dma_start3A_58 : memref<32x128xf32, #tpu.memory_space<vmem>>) target_semaphore(%arg18 : memref<!tpu.dma_semaphore, #tpu.memory_space<semaphore_mem>>)
    %dma_start3A_61 = arith.constant 0 : i32
    %dma_start3A_62 = arith.constant 128 : i32
    %dma_start3A_63 = tpu.memref_slice %arg12[%dma_start3A_61, %dma_start3A_62] : memref<32x512xf32, #tpu.memory_space<vmem>> -> memref<32x128xf32, #tpu.memory_space<vmem>>
    %dma_start3A_64 = arith.constant 0 : i32
    %dma_start3A_65 = tpu.memref_slice %arg5[%dma_start3A_64, %multiple_of3A_50] : memref<32x1000000xf32, #tpu.memory_space<hbm>> -> memref<32x128xf32, #tpu.memory_space<hbm>>
    %dma_start3A_66 = arith.constant 0 : i32
    %dma_start3A_67 = arith.constant 128 : i32
    %dma_start3A_68 = tpu.memref_slice %arg12[%dma_start3A_66, %dma_start3A_67] : memref<32x512xf32, #tpu.memory_space<vmem>> -> memref<32x128xf32, #tpu.memory_space<vmem>>
    %dma_start3A_69 = arith.constant 0 : i32
    %dma_start3A_70 = tpu.memref_slice %arg5[%dma_start3A_69, %multiple_of3A_50] : memref<32x1000000xf32, #tpu.memory_space<hbm>> -> memref<32x128xf32, #tpu.memory_space<hbm>>
    tpu.enqueue_dma source(%dma_start3A_70 : memref<32x128xf32, #tpu.memory_space<hbm>>) target(%dma_start3A_68 : memref<32x128xf32, #tpu.memory_space<vmem>>) target_semaphore(%arg19 : memref<!tpu.dma_semaphore, #tpu.memory_space<semaphore_mem>>)
    %slice3A_71 = vector.extract_strided_slice %shift_left3A_16 {offsets = [2], sizes = [1], strides = [1]} : vector<16xi32> to vector<1xi32>
    %squeeze3A_72 = vector.extract %slice3A_71[0] : i32 from vector<1xi32>
    %multiple_of3A_73 = tpu.assume_multiple %squeeze3A_72, 128 : i32
    %slice3A_74 = vector.extract_strided_slice %shift_left3A_22 {offsets = [2], sizes = [1], strides = [1]} : vector<16xi32> to vector<1xi32>
    %squeeze3A_75 = vector.extract %slice3A_74[0] : i32 from vector<1xi32>
    %multiple_of3A_76 = tpu.assume_multiple %squeeze3A_75, 128 : i32
    %dma_start3A_77 = arith.constant 0 : i32
    %dma_start3A_78 = arith.constant 256 : i32
    %dma_start3A_79 = tpu.memref_slice %arg11[%dma_start3A_77, %dma_start3A_78] : memref<32x512xf32, #tpu.memory_space<vmem>> -> memref<32x128xf32, #tpu.memory_space<vmem>>
    %dma_start3A_80 = arith.constant 0 : i32
    %dma_start3A_81 = tpu.memref_slice %arg4[%dma_start3A_80, %multiple_of3A_73] : memref<32x100001xf32, #tpu.memory_space<hbm>> -> memref<32x128xf32, #tpu.memory_space<hbm>>
    %dma_start3A_82 = arith.constant 0 : i32
    %dma_start3A_83 = arith.constant 256 : i32
    %dma_start3A_84 = tpu.memref_slice %arg11[%dma_start3A_82, %dma_start3A_83] : memref<32x512xf32, #tpu.memory_space<vmem>> -> memref<32x128xf32, #tpu.memory_space<vmem>>
    %dma_start3A_85 = arith.constant 0 : i32
    %dma_start3A_86 = tpu.memref_slice %arg4[%dma_start3A_85, %multiple_of3A_73] : memref<32x100001xf32, #tpu.memory_space<hbm>> -> memref<32x128xf32, #tpu.memory_space<hbm>>
    tpu.enqueue_dma source(%dma_start3A_86 : memref<32x128xf32, #tpu.memory_space<hbm>>) target(%dma_start3A_84 : memref<32x128xf32, #tpu.memory_space<vmem>>) target_semaphore(%arg18 : memref<!tpu.dma_semaphore, #tpu.memory_space<semaphore_mem>>)
    %dma_start3A_87 = arith.constant 0 : i32
    %dma_start3A_88 = arith.constant 256 : i32
    %dma_start3A_89 = tpu.memref_slice %arg12[%dma_start3A_87, %dma_start3A_88] : memref<32x512xf32, #tpu.memory_space<vmem>> -> memref<32x128xf32, #tpu.memory_space<vmem>>
    %dma_start3A_90 = arith.constant 0 : i32
    %dma_start3A_91 = tpu.memref_slice %arg5[%dma_start3A_90, %multiple_of3A_76] : memref<32x1000000xf32, #tpu.memory_space<hbm>> -> memref<32x128xf32, #tpu.memory_space<hbm>>
    %dma_start3A_92 = arith.constant 0 : i32
    %dma_start3A_93 = arith.constant 256 : i32
    %dma_start3A_94 = tpu.memref_slice %arg12[%dma_start3A_92, %dma_start3A_93] : memref<32x512xf32, #tpu.memory_space<vmem>> -> memref<32x128xf32, #tpu.memory_space<vmem>>
    %dma_start3A_95 = arith.constant 0 : i32
    %dma_start3A_96 = tpu.memref_slice %arg5[%dma_start3A_95, %multiple_of3A_76] : memref<32x1000000xf32, #tpu.memory_space<hbm>> -> memref<32x128xf32, #tpu.memory_space<hbm>>
    tpu.enqueue_dma source(%dma_start3A_96 : memref<32x128xf32, #tpu.memory_space<hbm>>) target(%dma_start3A_94 : memref<32x128xf32, #tpu.memory_space<vmem>>) target_semaphore(%arg19 : memref<!tpu.dma_semaphore, #tpu.memory_space<semaphore_mem>>)
    %slice3A_97 = vector.extract_strided_slice %shift_left3A_16 {offsets = [3], sizes = [1], strides = [1]} : vector<16xi32> to vector<1xi32>
    %squeeze3A_98 = vector.extract %slice3A_97[0] : i32 from vector<1xi32>
    %multiple_of3A_99 = tpu.assume_multiple %squeeze3A_98, 128 : i32
    %slice3A_100 = vector.extract_strided_slice %shift_left3A_22 {offsets = [3], sizes = [1], strides = [1]} : vector<16xi32> to vector<1xi32>
    %squeeze3A_101 = vector.extract %slice3A_100[0] : i32 from vector<1xi32>
    %multiple_of3A_102 = tpu.assume_multiple %squeeze3A_101, 128 : i32
    %dma_start3A_103 = arith.constant 0 : i32
    %dma_start3A_104 = arith.constant 384 : i32
    %dma_start3A_105 = tpu.memref_slice %arg11[%dma_start3A_103, %dma_start3A_104] : memref<32x512xf32, #tpu.memory_space<vmem>> -> memref<32x128xf32, #tpu.memory_space<vmem>>
    %dma_start3A_106 = arith.constant 0 : i32
    %dma_start3A_107 = tpu.memref_slice %arg4[%dma_start3A_106, %multiple_of3A_99] : memref<32x100001xf32, #tpu.memory_space<hbm>> -> memref<32x128xf32, #tpu.memory_space<hbm>>
    %dma_start3A_108 = arith.constant 0 : i32
    %dma_start3A_109 = arith.constant 384 : i32
    %dma_start3A_110 = tpu.memref_slice %arg11[%dma_start3A_108, %dma_start3A_109] : memref<32x512xf32, #tpu.memory_space<vmem>> -> memref<32x128xf32, #tpu.memory_space<vmem>>
    %dma_start3A_111 = arith.constant 0 : i32
    %dma_start3A_112 = tpu.memref_slice %arg4[%dma_start3A_111, %multiple_of3A_99] : memref<32x100001xf32, #tpu.memory_space<hbm>> -> memref<32x128xf32, #tpu.memory_space<hbm>>
    tpu.enqueue_dma source(%dma_start3A_112 : memref<32x128xf32, #tpu.memory_space<hbm>>) target(%dma_start3A_110 : memref<32x128xf32, #tpu.memory_space<vmem>>) target_semaphore(%arg18 : memref<!tpu.dma_semaphore, #tpu.memory_space<semaphore_mem>>)
    %dma_start3A_113 = arith.constant 0 : i32
    %dma_start3A_114 = arith.constant 384 : i32
    %dma_start3A_115 = tpu.memref_slice %arg12[%dma_start3A_113, %dma_start3A_114] : memref<32x512xf32, #tpu.memory_space<vmem>> -> memref<32x128xf32, #tpu.memory_space<vmem>>
    %dma_start3A_116 = arith.constant 0 : i32
    %dma_start3A_117 = tpu.memref_slice %arg5[%dma_start3A_116, %multiple_of3A_102] : memref<32x1000000xf32, #tpu.memory_space<hbm>> -> memref<32x128xf32, #tpu.memory_space<hbm>>
    %dma_start3A_118 = arith.constant 0 : i32
    %dma_start3A_119 = arith.constant 384 : i32
    %dma_start3A_120 = tpu.memref_slice %arg12[%dma_start3A_118, %dma_start3A_119] : memref<32x512xf32, #tpu.memory_space<vmem>> -> memref<32x128xf32, #tpu.memory_space<vmem>>
    %dma_start3A_121 = arith.constant 0 : i32
    %dma_start3A_122 = tpu.memref_slice %arg5[%dma_start3A_121, %multiple_of3A_102] : memref<32x1000000xf32, #tpu.memory_space<hbm>> -> memref<32x128xf32, #tpu.memory_space<hbm>>
    tpu.enqueue_dma source(%dma_start3A_122 : memref<32x128xf32, #tpu.memory_space<hbm>>) target(%dma_start3A_120 : memref<32x128xf32, #tpu.memory_space<vmem>>) target_semaphore(%arg19 : memref<!tpu.dma_semaphore, #tpu.memory_space<semaphore_mem>>)
    %scan3A = arith.constant 0 : i32
    %scan3A_123 = arith.constant 0 : i32
    %scan3A_124 = arith.constant 32 : i32
    %scan3A_125 = arith.addi %scan3A_123, %scan3A_124 : i32
    %scan3A_126 = arith.constant 1 : i32
    scf.for %scan3A_128 = %scan3A_123 to %scan3A_125 step %scan3A_126  : i32 {
      %mul3A_129 = arith.constant 16 : i32
      %mul3A_130 = arith.muli %scan3A_128, %mul3A_129 : i32
      %get3A_131 = arith.index_cast %mul3A_130 : i32 to index
      %get3A_132 = tpu.vector_load %arg9[%get3A_131] {strides = array<i32>} : memref<528xi32, #tpu.memory_space<vmem>>, vector<16xi32>,
      %get3A_133 = arith.index_cast %mul3A_130 : i32 to index
      %get3A_134 = tpu.vector_load %arg10[%get3A_133] {strides = array<i32>} : memref<528xi32, #tpu.memory_space<vmem>>, vector<16xi32>,
      %shift_right_arithmetic3A_135 = arith.constant 7 : i32
      %shift_right_arithmetic3A_136 = vector.broadcast %shift_right_arithmetic3A_135 : i32 to vector<16xi32>
      %shift_right_arithmetic3A_137 = arith.shrsi %get3A_132, %shift_right_arithmetic3A_136 : vector<16xi32>
      %shift_left3A_138 = arith.constant 7 : i32
      %shift_left3A_139 = vector.broadcast %shift_left3A_138 : i32 to vector<16xi32>
      %shift_left3A_140 = arith.shli %shift_right_arithmetic3A_137, %shift_left3A_139 : vector<16xi32>
      %shift_right_arithmetic3A_141 = arith.constant 7 : i32
      %shift_right_arithmetic3A_142 = vector.broadcast %shift_right_arithmetic3A_141 : i32 to vector<16xi32>
      %shift_right_arithmetic3A_143 = arith.shrsi %get3A_134, %shift_right_arithmetic3A_142 : vector<16xi32>
      %shift_left3A_144 = arith.constant 7 : i32
      %shift_left3A_145 = vector.broadcast %shift_left3A_144 : i32 to vector<16xi32>
      %shift_left3A_146 = arith.shli %shift_right_arithmetic3A_143, %shift_left3A_145 : vector<16xi32>
      %and3A = arith.constant 127 : i32
      %and3A_147 = vector.broadcast %and3A : i32 to vector<16xi32>
      %and3A_148 = arith.andi %get3A_132, %and3A_147 : vector<16xi32>
      %and3A_149 = arith.constant 127 : i32
      %and3A_150 = vector.broadcast %and3A_149 : i32 to vector<16xi32>
      %and3A_151 = arith.andi %get3A_134, %and3A_150 : vector<16xi32>
      %add3A_152 = arith.constant 16 : i32
      %add3A_153 = arith.addi %mul3A_130, %add3A_152 : i32
      %get3A_154 = arith.index_cast %add3A_153 : i32 to index
      %get3A_155 = tpu.vector_load %arg9[%get3A_154] {strides = array<i32>} : memref<528xi32, #tpu.memory_space<vmem>>, vector<16xi32>,
      %add3A_156 = arith.constant 16 : i32
      %add3A_157 = arith.addi %mul3A_130, %add3A_156 : i32
      %get3A_158 = arith.index_cast %add3A_157 : i32 to index
      %get3A_159 = tpu.vector_load %arg10[%get3A_158] {strides = array<i32>} : memref<528xi32, #tpu.memory_space<vmem>>, vector<16xi32>,
      %shift_right_arithmetic3A_160 = arith.constant 7 : i32
      %shift_right_arithmetic3A_161 = vector.broadcast %shift_right_arithmetic3A_160 : i32 to vector<16xi32>
      %shift_right_arithmetic3A_162 = arith.shrsi %get3A_155, %shift_right_arithmetic3A_161 : vector<16xi32>
      %shift_left3A_163 = arith.constant 7 : i32
      %shift_left3A_164 = vector.broadcast %shift_left3A_163 : i32 to vector<16xi32>
      %shift_left3A_165 = arith.shli %shift_right_arithmetic3A_162, %shift_left3A_164 : vector<16xi32>
      %shift_right_arithmetic3A_166 = arith.constant 7 : i32
      %shift_right_arithmetic3A_167 = vector.broadcast %shift_right_arithmetic3A_166 : i32 to vector<16xi32>
      %shift_right_arithmetic3A_168 = arith.shrsi %get3A_159, %shift_right_arithmetic3A_167 : vector<16xi32>
      %shift_left3A_169 = arith.constant 7 : i32
      %shift_left3A_170 = vector.broadcast %shift_left3A_169 : i32 to vector<16xi32>
      %shift_left3A_171 = arith.shli %shift_right_arithmetic3A_168, %shift_left3A_170 : vector<16xi32>
      %slice3A_172 = vector.extract_strided_slice %shift_left3A_140 {offsets = [4], sizes = [1], strides = [1]} : vector<16xi32> to vector<1xi32>
      %squeeze3A_173 = vector.extract %slice3A_172[0] : i32 from vector<1xi32>
      %multiple_of3A_174 = tpu.assume_multiple %squeeze3A_173, 128 : i32
      %slice3A_175 = vector.extract_strided_slice %shift_left3A_146 {offsets = [4], sizes = [1], strides = [1]} : vector<16xi32> to vector<1xi32>
      %squeeze3A_176 = vector.extract %slice3A_175[0] : i32 from vector<1xi32>
      %multiple_of3A_177 = tpu.assume_multiple %squeeze3A_176, 128 : i32
      %dma_start3A_178 = arith.constant 0 : i32
      %dma_start3A_179 = arith.constant 0 : i32
      %dma_start3A_180 = tpu.memref_slice %arg13[%dma_start3A_178, %dma_start3A_179] : memref<32x512xf32, #tpu.memory_space<vmem>> -> memref<32x128xf32, #tpu.memory_space<vmem>>
      %dma_start3A_181 = arith.constant 0 : i32
      %dma_start3A_182 = tpu.memref_slice %arg4[%dma_start3A_181, %multiple_of3A_174] : memref<32x100001xf32, #tpu.memory_space<hbm>> -> memref<32x128xf32, #tpu.memory_space<hbm>>
      %dma_start3A_183 = arith.constant 0 : i32
      %dma_start3A_184 = arith.constant 0 : i32
      %dma_start3A_185 = tpu.memref_slice %arg13[%dma_start3A_183, %dma_start3A_184] : memref<32x512xf32, #tpu.memory_space<vmem>> -> memref<32x128xf32, #tpu.memory_space<vmem>>
      %dma_start3A_186 = arith.constant 0 : i32
      %dma_start3A_187 = tpu.memref_slice %arg4[%dma_start3A_186, %multiple_of3A_174] : memref<32x100001xf32, #tpu.memory_space<hbm>> -> memref<32x128xf32, #tpu.memory_space<hbm>>
      tpu.enqueue_dma source(%dma_start3A_187 : memref<32x128xf32, #tpu.memory_space<hbm>>) target(%dma_start3A_185 : memref<32x128xf32, #tpu.memory_space<vmem>>) target_semaphore(%arg20 : memref<!tpu.dma_semaphore, #tpu.memory_space<semaphore_mem>>)
      %dma_start3A_188 = arith.constant 0 : i32
      %dma_start3A_189 = arith.constant 0 : i32
      %dma_start3A_190 = tpu.memref_slice %arg14[%dma_start3A_188, %dma_start3A_189] : memref<32x512xf32, #tpu.memory_space<vmem>> -> memref<32x128xf32, #tpu.memory_space<vmem>>
      %dma_start3A_191 = arith.constant 0 : i32
      %dma_start3A_192 = tpu.memref_slice %arg5[%dma_start3A_191, %multiple_of3A_177] : memref<32x1000000xf32, #tpu.memory_space<hbm>> -> memref<32x128xf32, #tpu.memory_space<hbm>>
      %dma_start3A_193 = arith.constant 0 : i32
      %dma_start3A_194 = arith.constant 0 : i32
      %dma_start3A_195 = tpu.memref_slice %arg14[%dma_start3A_193, %dma_start3A_194] : memref<32x512xf32, #tpu.memory_space<vmem>> -> memref<32x128xf32, #tpu.memory_space<vmem>>
      %dma_start3A_196 = arith.constant 0 : i32
      %dma_start3A_197 = tpu.memref_slice %arg5[%dma_start3A_196, %multiple_of3A_177] : memref<32x1000000xf32, #tpu.memory_space<hbm>> -> memref<32x128xf32, #tpu.memory_space<hbm>>
      tpu.enqueue_dma source(%dma_start3A_197 : memref<32x128xf32, #tpu.memory_space<hbm>>) target(%dma_start3A_195 : memref<32x128xf32, #tpu.memory_space<vmem>>) target_semaphore(%arg21 : memref<!tpu.dma_semaphore, #tpu.memory_space<semaphore_mem>>)
      %slice3A_198 = vector.extract_strided_slice %shift_left3A_140 {offsets = [5], sizes = [1], strides = [1]} : vector<16xi32> to vector<1xi32>
      %squeeze3A_199 = vector.extract %slice3A_198[0] : i32 from vector<1xi32>
      %multiple_of3A_200 = tpu.assume_multiple %squeeze3A_199, 128 : i32
      %slice3A_201 = vector.extract_strided_slice %shift_left3A_146 {offsets = [5], sizes = [1], strides = [1]} : vector<16xi32> to vector<1xi32>
      %squeeze3A_202 = vector.extract %slice3A_201[0] : i32 from vector<1xi32>
      %multiple_of3A_203 = tpu.assume_multiple %squeeze3A_202, 128 : i32
      %dma_start3A_204 = arith.constant 0 : i32
      %dma_start3A_205 = arith.constant 128 : i32
      %dma_start3A_206 = tpu.memref_slice %arg13[%dma_start3A_204, %dma_start3A_205] : memref<32x512xf32, #tpu.memory_space<vmem>> -> memref<32x128xf32, #tpu.memory_space<vmem>>
      %dma_start3A_207 = arith.constant 0 : i32
      %dma_start3A_208 = tpu.memref_slice %arg4[%dma_start3A_207, %multiple_of3A_200] : memref<32x100001xf32, #tpu.memory_space<hbm>> -> memref<32x128xf32, #tpu.memory_space<hbm>>
      %dma_start3A_209 = arith.constant 0 : i32
      %dma_start3A_210 = arith.constant 128 : i32
      %dma_start3A_211 = tpu.memref_slice %arg13[%dma_start3A_209, %dma_start3A_210] : memref<32x512xf32, #tpu.memory_space<vmem>> -> memref<32x128xf32, #tpu.memory_space<vmem>>
      %dma_start3A_212 = arith.constant 0 : i32
      %dma_start3A_213 = tpu.memref_slice %arg4[%dma_start3A_212, %multiple_of3A_200] : memref<32x100001xf32, #tpu.memory_space<hbm>> -> memref<32x128xf32, #tpu.memory_space<hbm>>
      tpu.enqueue_dma source(%dma_start3A_213 : memref<32x128xf32, #tpu.memory_space<hbm>>) target(%dma_start3A_211 : memref<32x128xf32, #tpu.memory_space<vmem>>) target_semaphore(%arg20 : memref<!tpu.dma_semaphore, #tpu.memory_space<semaphore_mem>>)
      %dma_start3A_214 = arith.constant 0 : i32
      %dma_start3A_215 = arith.constant 128 : i32
      %dma_start3A_216 = tpu.memref_slice %arg14[%dma_start3A_214, %dma_start3A_215] : memref<32x512xf32, #tpu.memory_space<vmem>> -> memref<32x128xf32, #tpu.memory_space<vmem>>
      %dma_start3A_217 = arith.constant 0 : i32
      %dma_start3A_218 = tpu.memref_slice %arg5[%dma_start3A_217, %multiple_of3A_203] : memref<32x1000000xf32, #tpu.memory_space<hbm>> -> memref<32x128xf32, #tpu.memory_space<hbm>>
      %dma_start3A_219 = arith.constant 0 : i32
      %dma_start3A_220 = arith.constant 128 : i32
      %dma_start3A_221 = tpu.memref_slice %arg14[%dma_start3A_219, %dma_start3A_220] : memref<32x512xf32, #tpu.memory_space<vmem>> -> memref<32x128xf32, #tpu.memory_space<vmem>>
      %dma_start3A_222 = arith.constant 0 : i32
      %dma_start3A_223 = tpu.memref_slice %arg5[%dma_start3A_222, %multiple_of3A_203] : memref<32x1000000xf32, #tpu.memory_space<hbm>> -> memref<32x128xf32, #tpu.memory_space<hbm>>
      tpu.enqueue_dma source(%dma_start3A_223 : memref<32x128xf32, #tpu.memory_space<hbm>>) target(%dma_start3A_221 : memref<32x128xf32, #tpu.memory_space<vmem>>) target_semaphore(%arg21 : memref<!tpu.dma_semaphore, #tpu.memory_space<semaphore_mem>>)
      %slice3A_224 = vector.extract_strided_slice %shift_left3A_140 {offsets = [6], sizes = [1], strides = [1]} : vector<16xi32> to vector<1xi32>
      %squeeze3A_225 = vector.extract %slice3A_224[0] : i32 from vector<1xi32>
      %multiple_of3A_226 = tpu.assume_multiple %squeeze3A_225, 128 : i32
      %slice3A_227 = vector.extract_strided_slice %shift_left3A_146 {offsets = [6], sizes = [1], strides = [1]} : vector<16xi32> to vector<1xi32>
      %squeeze3A_228 = vector.extract %slice3A_227[0] : i32 from vector<1xi32>
      %multiple_of3A_229 = tpu.assume_multiple %squeeze3A_228, 128 : i32
      %dma_start3A_230 = arith.constant 0 : i32
      %dma_start3A_231 = arith.constant 256 : i32
      %dma_start3A_232 = tpu.memref_slice %arg13[%dma_start3A_230, %dma_start3A_231] : memref<32x512xf32, #tpu.memory_space<vmem>> -> memref<32x128xf32, #tpu.memory_space<vmem>>
      %dma_start3A_233 = arith.constant 0 : i32
      %dma_start3A_234 = tpu.memref_slice %arg4[%dma_start3A_233, %multiple_of3A_226] : memref<32x100001xf32, #tpu.memory_space<hbm>> -> memref<32x128xf32, #tpu.memory_space<hbm>>
      %dma_start3A_235 = arith.constant 0 : i32
      %dma_start3A_236 = arith.constant 256 : i32
      %dma_start3A_237 = tpu.memref_slice %arg13[%dma_start3A_235, %dma_start3A_236] : memref<32x512xf32, #tpu.memory_space<vmem>> -> memref<32x128xf32, #tpu.memory_space<vmem>>
      %dma_start3A_238 = arith.constant 0 : i32
      %dma_start3A_239 = tpu.memref_slice %arg4[%dma_start3A_238, %multiple_of3A_226] : memref<32x100001xf32, #tpu.memory_space<hbm>> -> memref<32x128xf32, #tpu.memory_space<hbm>>
      tpu.enqueue_dma source(%dma_start3A_239 : memref<32x128xf32, #tpu.memory_space<hbm>>) target(%dma_start3A_237 : memref<32x128xf32, #tpu.memory_space<vmem>>) target_semaphore(%arg20 : memref<!tpu.dma_semaphore, #tpu.memory_space<semaphore_mem>>)
      %dma_start3A_240 = arith.constant 0 : i32
      %dma_start3A_241 = arith.constant 256 : i32
      %dma_start3A_242 = tpu.memref_slice %arg14[%dma_start3A_240, %dma_start3A_241] : memref<32x512xf32, #tpu.memory_space<vmem>> -> memref<32x128xf32, #tpu.memory_space<vmem>>
      %dma_start3A_243 = arith.constant 0 : i32
      %dma_start3A_244 = tpu.memref_slice %arg5[%dma_start3A_243, %multiple_of3A_229] : memref<32x1000000xf32, #tpu.memory_space<hbm>> -> memref<32x128xf32, #tpu.memory_space<hbm>>
      %dma_start3A_245 = arith.constant 0 : i32
      %dma_start3A_246 = arith.constant 256 : i32
      %dma_start3A_247 = tpu.memref_slice %arg14[%dma_start3A_245, %dma_start3A_246] : memref<32x512xf32, #tpu.memory_space<vmem>> -> memref<32x128xf32, #tpu.memory_space<vmem>>
      %dma_start3A_248 = arith.constant 0 : i32
      %dma_start3A_249 = tpu.memref_slice %arg5[%dma_start3A_248, %multiple_of3A_229] : memref<32x1000000xf32, #tpu.memory_space<hbm>> -> memref<32x128xf32, #tpu.memory_space<hbm>>
      tpu.enqueue_dma source(%dma_start3A_249 : memref<32x128xf32, #tpu.memory_space<hbm>>) target(%dma_start3A_247 : memref<32x128xf32, #tpu.memory_space<vmem>>) target_semaphore(%arg21 : memref<!tpu.dma_semaphore, #tpu.memory_space<semaphore_mem>>)
      %slice3A_250 = vector.extract_strided_slice %shift_left3A_140 {offsets = [7], sizes = [1], strides = [1]} : vector<16xi32> to vector<1xi32>
      %squeeze3A_251 = vector.extract %slice3A_250[0] : i32 from vector<1xi32>
      %multiple_of3A_252 = tpu.assume_multiple %squeeze3A_251, 128 : i32
      %slice3A_253 = vector.extract_strided_slice %shift_left3A_146 {offsets = [7], sizes = [1], strides = [1]} : vector<16xi32> to vector<1xi32>
      %squeeze3A_254 = vector.extract %slice3A_253[0] : i32 from vector<1xi32>
      %multiple_of3A_255 = tpu.assume_multiple %squeeze3A_254, 128 : i32
      %dma_start3A_256 = arith.constant 0 : i32
      %dma_start3A_257 = arith.constant 384 : i32
      %dma_start3A_258 = tpu.memref_slice %arg13[%dma_start3A_256, %dma_start3A_257] : memref<32x512xf32, #tpu.memory_space<vmem>> -> memref<32x128xf32, #tpu.memory_space<vmem>>
      %dma_start3A_259 = arith.constant 0 : i32
      %dma_start3A_260 = tpu.memref_slice %arg4[%dma_start3A_259, %multiple_of3A_252] : memref<32x100001xf32, #tpu.memory_space<hbm>> -> memref<32x128xf32, #tpu.memory_space<hbm>>
      %dma_start3A_261 = arith.constant 0 : i32
      %dma_start3A_262 = arith.constant 384 : i32
      %dma_start3A_263 = tpu.memref_slice %arg13[%dma_start3A_261, %dma_start3A_262] : memref<32x512xf32, #tpu.memory_space<vmem>> -> memref<32x128xf32, #tpu.memory_space<vmem>>
      %dma_start3A_264 = arith.constant 0 : i32
      %dma_start3A_265 = tpu.memref_slice %arg4[%dma_start3A_264, %multiple_of3A_252] : memref<32x100001xf32, #tpu.memory_space<hbm>> -> memref<32x128xf32, #tpu.memory_space<hbm>>
      tpu.enqueue_dma source(%dma_start3A_265 : memref<32x128xf32, #tpu.memory_space<hbm>>) target(%dma_start3A_263 : memref<32x128xf32, #tpu.memory_space<vmem>>) target_semaphore(%arg20 : memref<!tpu.dma_semaphore, #tpu.memory_space<semaphore_mem>>)
      %dma_start3A_266 = arith.constant 0 : i32
      %dma_start3A_267 = arith.constant 384 : i32
      %dma_start3A_268 = tpu.memref_slice %arg14[%dma_start3A_266, %dma_start3A_267] : memref<32x512xf32, #tpu.memory_space<vmem>> -> memref<32x128xf32, #tpu.memory_space<vmem>>
      %dma_start3A_269 = arith.constant 0 : i32
      %dma_start3A_270 = tpu.memref_slice %arg5[%dma_start3A_269, %multiple_of3A_255] : memref<32x1000000xf32, #tpu.memory_space<hbm>> -> memref<32x128xf32, #tpu.memory_space<hbm>>
      %dma_start3A_271 = arith.constant 0 : i32
      %dma_start3A_272 = arith.constant 384 : i32
      %dma_start3A_273 = tpu.memref_slice %arg14[%dma_start3A_271, %dma_start3A_272] : memref<32x512xf32, #tpu.memory_space<vmem>> -> memref<32x128xf32, #tpu.memory_space<vmem>>
      %dma_start3A_274 = arith.constant 0 : i32
      %dma_start3A_275 = tpu.memref_slice %arg5[%dma_start3A_274, %multiple_of3A_255] : memref<32x1000000xf32, #tpu.memory_space<hbm>> -> memref<32x128xf32, #tpu.memory_space<hbm>>
      tpu.enqueue_dma source(%dma_start3A_275 : memref<32x128xf32, #tpu.memory_space<hbm>>) target(%dma_start3A_273 : memref<32x128xf32, #tpu.memory_space<vmem>>) target_semaphore(%arg21 : memref<!tpu.dma_semaphore, #tpu.memory_space<semaphore_mem>>)
      %dma_wait3A = arith.constant 0 : i32
      %dma_wait3A_276 = arith.constant 0 : i32
      %dma_wait3A_277 = tpu.memref_slice %arg4[%dma_wait3A, %dma_wait3A_276] : memref<32x100001xf32, #tpu.memory_space<hbm>> -> memref<32x512xf32, #tpu.memory_space<hbm>>
      %dma_wait3A_278 = arith.constant 0 : i32
      %dma_wait3A_279 = arith.constant 0 : i32
      %dma_wait3A_280 = tpu.memref_slice %arg4[%dma_wait3A_278, %dma_wait3A_279] : memref<32x100001xf32, #tpu.memory_space<hbm>> -> memref<32x512xf32, #tpu.memory_space<hbm>>
      tpu.wait_dma2 semaphore(%arg18 : memref<!tpu.dma_semaphore, #tpu.memory_space<semaphore_mem>>) src(%dma_wait3A_280 : memref<32x512xf32, #tpu.memory_space<hbm>>) dst(%arg11 : memref<32x512xf32, #tpu.memory_space<vmem>>)
      %dma_wait3A_281 = arith.constant 0 : i32
      %dma_wait3A_282 = arith.constant 0 : i32
      %dma_wait3A_283 = tpu.memref_slice %arg5[%dma_wait3A_281, %dma_wait3A_282] : memref<32x1000000xf32, #tpu.memory_space<hbm>> -> memref<32x512xf32, #tpu.memory_space<hbm>>
      %dma_wait3A_284 = arith.constant 0 : i32
      %dma_wait3A_285 = arith.constant 0 : i32
      %dma_wait3A_286 = tpu.memref_slice %arg5[%dma_wait3A_284, %dma_wait3A_285] : memref<32x1000000xf32, #tpu.memory_space<hbm>> -> memref<32x512xf32, #tpu.memory_space<hbm>>
      tpu.wait_dma2 semaphore(%arg19 : memref<!tpu.dma_semaphore, #tpu.memory_space<semaphore_mem>>) src(%dma_wait3A_286 : memref<32x512xf32, #tpu.memory_space<hbm>>) dst(%arg12 : memref<32x512xf32, #tpu.memory_space<vmem>>)
      %slice3A_287 = vector.extract_strided_slice %and3A_148 {offsets = [0], sizes = [1], strides = [1]} : vector<16xi32> to vector<1xi32>
      %squeeze3A_288 = vector.extract %slice3A_287[0] : i32 from vector<1xi32>
      %add3A_289 = arith.constant 0 : i32
      %add3A_290 = arith.addi %add3A_289, %squeeze3A_288 : i32
      %broadcast_in_dim3A_291 = vector.broadcast %add3A_290 : i32 to vector<16xi32>
      %slice3A_292 = vector.extract_strided_slice %and3A_151 {offsets = [0], sizes = [1], strides = [1]} : vector<16xi32> to vector<1xi32>
      %squeeze3A_293 = vector.extract %slice3A_292[0] : i32 from vector<1xi32>
      %add3A_294 = arith.constant 0 : i32
      %add3A_295 = arith.addi %add3A_294, %squeeze3A_293 : i32
      %broadcast_in_dim3A_296 = vector.broadcast %add3A_295 : i32 to vector<16xi32>
      %gather3A = tpu.vector_load_idx %arg11[%iota3A, %broadcast_in_dim3A_291] : memref<32x512xf32, #tpu.memory_space<vmem>>[vector<16xi32>, vector<16xi32>], vector<16xf32>,
      %add3A_297 = arith.constant 16 : i32
      %add3A_298 = vector.broadcast %add3A_297 : i32 to vector<16xi32>
      %add3A_299 = arith.addi %iota3A, %add3A_298 : vector<16xi32>
      %gather3A_300 = tpu.vector_load_idx %arg11[%add3A_299, %broadcast_in_dim3A_291] : memref<32x512xf32, #tpu.memory_space<vmem>>[vector<16xi32>, vector<16xi32>], vector<16xf32>,
      %gather3A_301 = tpu.vector_load_idx %arg12[%iota3A, %broadcast_in_dim3A_296] : memref<32x512xf32, #tpu.memory_space<vmem>>[vector<16xi32>, vector<16xi32>], vector<16xf32>,
      %add3A_302 = arith.constant 16 : i32
      %add3A_303 = vector.broadcast %add3A_302 : i32 to vector<16xi32>
      %add3A_304 = arith.addi %iota3A, %add3A_303 : vector<16xi32>
      %gather3A_305 = tpu.vector_load_idx %arg12[%add3A_304, %broadcast_in_dim3A_296] : memref<32x512xf32, #tpu.memory_space<vmem>>[vector<16xi32>, vector<16xi32>], vector<16xf32>,
      %mul3A_306 = arith.mulf %gather3A, %gather3A_301 : vector<16xf32>
      %mul3A_307 = arith.mulf %mul3A_306, %get3A_5 : vector<16xf32>
      %mul3A_308 = arith.mulf %gather3A_300, %gather3A_305 : vector<16xf32>
      %mul3A_309 = arith.mulf %mul3A_308, %get3A_7 : vector<16xf32>
      %add3A_310 = arith.addf %mul3A_307, %mul3A_309 : vector<16xf32>
      %reduce_sum3A = arith.constant true
      %reduce_sum3A_311 = vector.broadcast %reduce_sum3A : i1 to vector<16xi1>
      %reduce_sum3A_312 = tpu.scan <sum>, %add3A_310 masked %reduce_sum3A_311 : vector<16xf32>, vector<16xi1> -> vector<16xf32>
      %reduce_sum3A_313 = vector.extract %reduce_sum3A_312[15] : f32 from vector<16xf32>
      %eq3A = arith.constant 0 : i32
      %eq3A_314 = vector.broadcast %eq3A : i32 to vector<16xi32>
      %eq3A_315 = arith.cmpi eq, %iota3A, %eq3A_314 : vector<16xi32>
      %broadcast_in_dim3A_316 = vector.broadcast %reduce_sum3A_313 : f32 to vector<16xf32>
      %select_n3A = arith.select %eq3A_315, %broadcast_in_dim3A_316, %broadcast_in_dim3A_8 : vector<16xi1>, vector<16xf32>
      %slice3A_317 = vector.extract_strided_slice %and3A_148 {offsets = [1], sizes = [1], strides = [1]} : vector<16xi32> to vector<1xi32>
      %squeeze3A_318 = vector.extract %slice3A_317[0] : i32 from vector<1xi32>
      %add3A_319 = arith.constant 128 : i32
      %add3A_320 = arith.addi %add3A_319, %squeeze3A_318 : i32
      %broadcast_in_dim3A_321 = vector.broadcast %add3A_320 : i32 to vector<16xi32>
      %slice3A_322 = vector.extract_strided_slice %and3A_151 {offsets = [1], sizes = [1], strides = [1]} : vector<16xi32> to vector<1xi32>
      %squeeze3A_323 = vector.extract %slice3A_322[0] : i32 from vector<1xi32>
      %add3A_324 = arith.constant 128 : i32
      %add3A_325 = arith.addi %add3A_324, %squeeze3A_323 : i32
      %broadcast_in_dim3A_326 = vector.broadcast %add3A_325 : i32 to vector<16xi32>
      %gather3A_327 = tpu.vector_load_idx %arg11[%iota3A, %broadcast_in_dim3A_321] : memref<32x512xf32, #tpu.memory_space<vmem>>[vector<16xi32>, vector<16xi32>], vector<16xf32>,
      %add3A_328 = arith.constant 16 : i32
      %add3A_329 = vector.broadcast %add3A_328 : i32 to vector<16xi32>
      %add3A_330 = arith.addi %iota3A, %add3A_329 : vector<16xi32>
      %gather3A_331 = tpu.vector_load_idx %arg11[%add3A_330, %broadcast_in_dim3A_321] : memref<32x512xf32, #tpu.memory_space<vmem>>[vector<16xi32>, vector<16xi32>], vector<16xf32>,
      %gather3A_332 = tpu.vector_load_idx %arg12[%iota3A, %broadcast_in_dim3A_326] : memref<32x512xf32, #tpu.memory_space<vmem>>[vector<16xi32>, vector<16xi32>], vector<16xf32>,
      %add3A_333 = arith.constant 16 : i32
      %add3A_334 = vector.broadcast %add3A_333 : i32 to vector<16xi32>
      %add3A_335 = arith.addi %iota3A, %add3A_334 : vector<16xi32>
      %gather3A_336 = tpu.vector_load_idx %arg12[%add3A_335, %broadcast_in_dim3A_326] : memref<32x512xf32, #tpu.memory_space<vmem>>[vector<16xi32>, vector<16xi32>], vector<16xf32>,
      %mul3A_337 = arith.mulf %gather3A_327, %gather3A_332 : vector<16xf32>
      %mul3A_338 = arith.mulf %mul3A_337, %get3A_5 : vector<16xf32>
      %mul3A_339 = arith.mulf %gather3A_331, %gather3A_336 : vector<16xf32>
      %mul3A_340 = arith.mulf %mul3A_339, %get3A_7 : vector<16xf32>
      %add3A_341 = arith.addf %mul3A_338, %mul3A_340 : vector<16xf32>
      %reduce_sum3A_342 = arith.constant true
      %reduce_sum3A_343 = vector.broadcast %reduce_sum3A_342 : i1 to vector<16xi1>
      %reduce_sum3A_344 = tpu.scan <sum>, %add3A_341 masked %reduce_sum3A_343 : vector<16xf32>, vector<16xi1> -> vector<16xf32>
      %reduce_sum3A_345 = vector.extract %reduce_sum3A_344[15] : f32 from vector<16xf32>
      %eq3A_346 = arith.constant 1 : i32
      %eq3A_347 = vector.broadcast %eq3A_346 : i32 to vector<16xi32>
      %eq3A_348 = arith.cmpi eq, %iota3A, %eq3A_347 : vector<16xi32>
      %broadcast_in_dim3A_349 = vector.broadcast %reduce_sum3A_345 : f32 to vector<16xf32>
      %select_n3A_350 = arith.select %eq3A_348, %broadcast_in_dim3A_349, %select_n3A : vector<16xi1>, vector<16xf32>
      %slice3A_351 = vector.extract_strided_slice %and3A_148 {offsets = [2], sizes = [1], strides = [1]} : vector<16xi32> to vector<1xi32>
      %squeeze3A_352 = vector.extract %slice3A_351[0] : i32 from vector<1xi32>
      %add3A_353 = arith.constant 256 : i32
      %add3A_354 = arith.addi %add3A_353, %squeeze3A_352 : i32
      %broadcast_in_dim3A_355 = vector.broadcast %add3A_354 : i32 to vector<16xi32>
      %slice3A_356 = vector.extract_strided_slice %and3A_151 {offsets = [2], sizes = [1], strides = [1]} : vector<16xi32> to vector<1xi32>
      %squeeze3A_357 = vector.extract %slice3A_356[0] : i32 from vector<1xi32>
      %add3A_358 = arith.constant 256 : i32
      %add3A_359 = arith.addi %add3A_358, %squeeze3A_357 : i32
      %broadcast_in_dim3A_360 = vector.broadcast %add3A_359 : i32 to vector<16xi32>
      %gather3A_361 = tpu.vector_load_idx %arg11[%iota3A, %broadcast_in_dim3A_355] : memref<32x512xf32, #tpu.memory_space<vmem>>[vector<16xi32>, vector<16xi32>], vector<16xf32>,
      %add3A_362 = arith.constant 16 : i32
      %add3A_363 = vector.broadcast %add3A_362 : i32 to vector<16xi32>
      %add3A_364 = arith.addi %iota3A, %add3A_363 : vector<16xi32>
      %gather3A_365 = tpu.vector_load_idx %arg11[%add3A_364, %broadcast_in_dim3A_355] : memref<32x512xf32, #tpu.memory_space<vmem>>[vector<16xi32>, vector<16xi32>], vector<16xf32>,
      %gather3A_366 = tpu.vector_load_idx %arg12[%iota3A, %broadcast_in_dim3A_360] : memref<32x512xf32, #tpu.memory_space<vmem>>[vector<16xi32>, vector<16xi32>], vector<16xf32>,
      %add3A_367 = arith.constant 16 : i32
      %add3A_368 = vector.broadcast %add3A_367 : i32 to vector<16xi32>
      %add3A_369 = arith.addi %iota3A, %add3A_368 : vector<16xi32>
      %gather3A_370 = tpu.vector_load_idx %arg12[%add3A_369, %broadcast_in_dim3A_360] : memref<32x512xf32, #tpu.memory_space<vmem>>[vector<16xi32>, vector<16xi32>], vector<16xf32>,
      %mul3A_371 = arith.mulf %gather3A_361, %gather3A_366 : vector<16xf32>
      %mul3A_372 = arith.mulf %mul3A_371, %get3A_5 : vector<16xf32>
      %mul3A_373 = arith.mulf %gather3A_365, %gather3A_370 : vector<16xf32>
      %mul3A_374 = arith.mulf %mul3A_373, %get3A_7 : vector<16xf32>
      %add3A_375 = arith.addf %mul3A_372, %mul3A_374 : vector<16xf32>
      %reduce_sum3A_376 = arith.constant true
      %reduce_sum3A_377 = vector.broadcast %reduce_sum3A_376 : i1 to vector<16xi1>
      %reduce_sum3A_378 = tpu.scan <sum>, %add3A_375 masked %reduce_sum3A_377 : vector<16xf32>, vector<16xi1> -> vector<16xf32>
      %reduce_sum3A_379 = vector.extract %reduce_sum3A_378[15] : f32 from vector<16xf32>
      %eq3A_380 = arith.constant 2 : i32
      %eq3A_381 = vector.broadcast %eq3A_380 : i32 to vector<16xi32>
      %eq3A_382 = arith.cmpi eq, %iota3A, %eq3A_381 : vector<16xi32>
      %broadcast_in_dim3A_383 = vector.broadcast %reduce_sum3A_379 : f32 to vector<16xf32>
      %select_n3A_384 = arith.select %eq3A_382, %broadcast_in_dim3A_383, %select_n3A_350 : vector<16xi1>, vector<16xf32>
      %slice3A_385 = vector.extract_strided_slice %and3A_148 {offsets = [3], sizes = [1], strides = [1]} : vector<16xi32> to vector<1xi32>
      %squeeze3A_386 = vector.extract %slice3A_385[0] : i32 from vector<1xi32>
      %add3A_387 = arith.constant 384 : i32
      %add3A_388 = arith.addi %add3A_387, %squeeze3A_386 : i32
      %broadcast_in_dim3A_389 = vector.broadcast %add3A_388 : i32 to vector<16xi32>
      %slice3A_390 = vector.extract_strided_slice %and3A_151 {offsets = [3], sizes = [1], strides = [1]} : vector<16xi32> to vector<1xi32>
      %squeeze3A_391 = vector.extract %slice3A_390[0] : i32 from vector<1xi32>
      %add3A_392 = arith.constant 384 : i32
      %add3A_393 = arith.addi %add3A_392, %squeeze3A_391 : i32
      %broadcast_in_dim3A_394 = vector.broadcast %add3A_393 : i32 to vector<16xi32>
      %gather3A_395 = tpu.vector_load_idx %arg11[%iota3A, %broadcast_in_dim3A_389] : memref<32x512xf32, #tpu.memory_space<vmem>>[vector<16xi32>, vector<16xi32>], vector<16xf32>,
      %add3A_396 = arith.constant 16 : i32
      %add3A_397 = vector.broadcast %add3A_396 : i32 to vector<16xi32>
      %add3A_398 = arith.addi %iota3A, %add3A_397 : vector<16xi32>
      %gather3A_399 = tpu.vector_load_idx %arg11[%add3A_398, %broadcast_in_dim3A_389] : memref<32x512xf32, #tpu.memory_space<vmem>>[vector<16xi32>, vector<16xi32>], vector<16xf32>,
      %gather3A_400 = tpu.vector_load_idx %arg12[%iota3A, %broadcast_in_dim3A_394] : memref<32x512xf32, #tpu.memory_space<vmem>>[vector<16xi32>, vector<16xi32>], vector<16xf32>,
      %add3A_401 = arith.constant 16 : i32
      %add3A_402 = vector.broadcast %add3A_401 : i32 to vector<16xi32>
      %add3A_403 = arith.addi %iota3A, %add3A_402 : vector<16xi32>
      %gather3A_404 = tpu.vector_load_idx %arg12[%add3A_403, %broadcast_in_dim3A_394] : memref<32x512xf32, #tpu.memory_space<vmem>>[vector<16xi32>, vector<16xi32>], vector<16xf32>,
      %mul3A_405 = arith.mulf %gather3A_395, %gather3A_400 : vector<16xf32>
      %mul3A_406 = arith.mulf %mul3A_405, %get3A_5 : vector<16xf32>
      %mul3A_407 = arith.mulf %gather3A_399, %gather3A_404 : vector<16xf32>
      %mul3A_408 = arith.mulf %mul3A_407, %get3A_7 : vector<16xf32>
      %add3A_409 = arith.addf %mul3A_406, %mul3A_408 : vector<16xf32>
      %reduce_sum3A_410 = arith.constant true
      %reduce_sum3A_411 = vector.broadcast %reduce_sum3A_410 : i1 to vector<16xi1>
      %reduce_sum3A_412 = tpu.scan <sum>, %add3A_409 masked %reduce_sum3A_411 : vector<16xf32>, vector<16xi1> -> vector<16xf32>
      %reduce_sum3A_413 = vector.extract %reduce_sum3A_412[15] : f32 from vector<16xf32>
      %eq3A_414 = arith.constant 3 : i32
      %eq3A_415 = vector.broadcast %eq3A_414 : i32 to vector<16xi32>
      %eq3A_416 = arith.cmpi eq, %iota3A, %eq3A_415 : vector<16xi32>
      %broadcast_in_dim3A_417 = vector.broadcast %reduce_sum3A_413 : f32 to vector<16xf32>
      %select_n3A_418 = arith.select %eq3A_416, %broadcast_in_dim3A_417, %select_n3A_384 : vector<16xi1>, vector<16xf32>
      %slice3A_419 = vector.extract_strided_slice %shift_left3A_140 {offsets = [8], sizes = [1], strides = [1]} : vector<16xi32> to vector<1xi32>
      %squeeze3A_420 = vector.extract %slice3A_419[0] : i32 from vector<1xi32>
      %multiple_of3A_421 = tpu.assume_multiple %squeeze3A_420, 128 : i32
      %slice3A_422 = vector.extract_strided_slice %shift_left3A_146 {offsets = [8], sizes = [1], strides = [1]} : vector<16xi32> to vector<1xi32>
      %squeeze3A_423 = vector.extract %slice3A_422[0] : i32 from vector<1xi32>
      %multiple_of3A_424 = tpu.assume_multiple %squeeze3A_423, 128 : i32
      %dma_start3A_425 = arith.constant 0 : i32
      %dma_start3A_426 = arith.constant 0 : i32
      %dma_start3A_427 = tpu.memref_slice %arg11[%dma_start3A_425, %dma_start3A_426] : memref<32x512xf32, #tpu.memory_space<vmem>> -> memref<32x128xf32, #tpu.memory_space<vmem>>
      %dma_start3A_428 = arith.constant 0 : i32
      %dma_start3A_429 = tpu.memref_slice %arg4[%dma_start3A_428, %multiple_of3A_421] : memref<32x100001xf32, #tpu.memory_space<hbm>> -> memref<32x128xf32, #tpu.memory_space<hbm>>
      %dma_start3A_430 = arith.constant 0 : i32
      %dma_start3A_431 = arith.constant 0 : i32
      %dma_start3A_432 = tpu.memref_slice %arg11[%dma_start3A_430, %dma_start3A_431] : memref<32x512xf32, #tpu.memory_space<vmem>> -> memref<32x128xf32, #tpu.memory_space<vmem>>
      %dma_start3A_433 = arith.constant 0 : i32
      %dma_start3A_434 = tpu.memref_slice %arg4[%dma_start3A_433, %multiple_of3A_421] : memref<32x100001xf32, #tpu.memory_space<hbm>> -> memref<32x128xf32, #tpu.memory_space<hbm>>
      tpu.enqueue_dma source(%dma_start3A_434 : memref<32x128xf32, #tpu.memory_space<hbm>>) target(%dma_start3A_432 : memref<32x128xf32, #tpu.memory_space<vmem>>) target_semaphore(%arg18 : memref<!tpu.dma_semaphore, #tpu.memory_space<semaphore_mem>>)
      %dma_start3A_435 = arith.constant 0 : i32
      %dma_start3A_436 = arith.constant 0 : i32
      %dma_start3A_437 = tpu.memref_slice %arg12[%dma_start3A_435, %dma_start3A_436] : memref<32x512xf32, #tpu.memory_space<vmem>> -> memref<32x128xf32, #tpu.memory_space<vmem>>
      %dma_start3A_438 = arith.constant 0 : i32
      %dma_start3A_439 = tpu.memref_slice %arg5[%dma_start3A_438, %multiple_of3A_424] : memref<32x1000000xf32, #tpu.memory_space<hbm>> -> memref<32x128xf32, #tpu.memory_space<hbm>>
      %dma_start3A_440 = arith.constant 0 : i32
      %dma_start3A_441 = arith.constant 0 : i32
      %dma_start3A_442 = tpu.memref_slice %arg12[%dma_start3A_440, %dma_start3A_441] : memref<32x512xf32, #tpu.memory_space<vmem>> -> memref<32x128xf32, #tpu.memory_space<vmem>>
      %dma_start3A_443 = arith.constant 0 : i32
      %dma_start3A_444 = tpu.memref_slice %arg5[%dma_start3A_443, %multiple_of3A_424] : memref<32x1000000xf32, #tpu.memory_space<hbm>> -> memref<32x128xf32, #tpu.memory_space<hbm>>
      tpu.enqueue_dma source(%dma_start3A_444 : memref<32x128xf32, #tpu.memory_space<hbm>>) target(%dma_start3A_442 : memref<32x128xf32, #tpu.memory_space<vmem>>) target_semaphore(%arg19 : memref<!tpu.dma_semaphore, #tpu.memory_space<semaphore_mem>>)
      %slice3A_445 = vector.extract_strided_slice %shift_left3A_140 {offsets = [9], sizes = [1], strides = [1]} : vector<16xi32> to vector<1xi32>
      %squeeze3A_446 = vector.extract %slice3A_445[0] : i32 from vector<1xi32>
      %multiple_of3A_447 = tpu.assume_multiple %squeeze3A_446, 128 : i32
      %slice3A_448 = vector.extract_strided_slice %shift_left3A_146 {offsets = [9], sizes = [1], strides = [1]} : vector<16xi32> to vector<1xi32>
      %squeeze3A_449 = vector.extract %slice3A_448[0] : i32 from vector<1xi32>
      %multiple_of3A_450 = tpu.assume_multiple %squeeze3A_449, 128 : i32
      %dma_start3A_451 = arith.constant 0 : i32
      %dma_start3A_452 = arith.constant 128 : i32
      %dma_start3A_453 = tpu.memref_slice %arg11[%dma_start3A_451, %dma_start3A_452] : memref<32x512xf32, #tpu.memory_space<vmem>> -> memref<32x128xf32, #tpu.memory_space<vmem>>
      %dma_start3A_454 = arith.constant 0 : i32
      %dma_start3A_455 = tpu.memref_slice %arg4[%dma_start3A_454, %multiple_of3A_447] : memref<32x100001xf32, #tpu.memory_space<hbm>> -> memref<32x128xf32, #tpu.memory_space<hbm>>
      %dma_start3A_456 = arith.constant 0 : i32
      %dma_start3A_457 = arith.constant 128 : i32
      %dma_start3A_458 = tpu.memref_slice %arg11[%dma_start3A_456, %dma_start3A_457] : memref<32x512xf32, #tpu.memory_space<vmem>> -> memref<32x128xf32, #tpu.memory_space<vmem>>
      %dma_start3A_459 = arith.constant 0 : i32
      %dma_start3A_460 = tpu.memref_slice %arg4[%dma_start3A_459, %multiple_of3A_447] : memref<32x100001xf32, #tpu.memory_space<hbm>> -> memref<32x128xf32, #tpu.memory_space<hbm>>
      tpu.enqueue_dma source(%dma_start3A_460 : memref<32x128xf32, #tpu.memory_space<hbm>>) target(%dma_start3A_458 : memref<32x128xf32, #tpu.memory_space<vmem>>) target_semaphore(%arg18 : memref<!tpu.dma_semaphore, #tpu.memory_space<semaphore_mem>>)
      %dma_start3A_461 = arith.constant 0 : i32
      %dma_start3A_462 = arith.constant 128 : i32
      %dma_start3A_463 = tpu.memref_slice %arg12[%dma_start3A_461, %dma_start3A_462] : memref<32x512xf32, #tpu.memory_space<vmem>> -> memref<32x128xf32, #tpu.memory_space<vmem>>
      %dma_start3A_464 = arith.constant 0 : i32
      %dma_start3A_465 = tpu.memref_slice %arg5[%dma_start3A_464, %multiple_of3A_450] : memref<32x1000000xf32, #tpu.memory_space<hbm>> -> memref<32x128xf32, #tpu.memory_space<hbm>>
      %dma_start3A_466 = arith.constant 0 : i32
      %dma_start3A_467 = arith.constant 128 : i32
      %dma_start3A_468 = tpu.memref_slice %arg12[%dma_start3A_466, %dma_start3A_467] : memref<32x512xf32, #tpu.memory_space<vmem>> -> memref<32x128xf32, #tpu.memory_space<vmem>>
      %dma_start3A_469 = arith.constant 0 : i32
      %dma_start3A_470 = tpu.memref_slice %arg5[%dma_start3A_469, %multiple_of3A_450] : memref<32x1000000xf32, #tpu.memory_space<hbm>> -> memref<32x128xf32, #tpu.memory_space<hbm>>
      tpu.enqueue_dma source(%dma_start3A_470 : memref<32x128xf32, #tpu.memory_space<hbm>>) target(%dma_start3A_468 : memref<32x128xf32, #tpu.memory_space<vmem>>) target_semaphore(%arg19 : memref<!tpu.dma_semaphore, #tpu.memory_space<semaphore_mem>>)
      %slice3A_471 = vector.extract_strided_slice %shift_left3A_140 {offsets = [10], sizes = [1], strides = [1]} : vector<16xi32> to vector<1xi32>
      %squeeze3A_472 = vector.extract %slice3A_471[0] : i32 from vector<1xi32>
      %multiple_of3A_473 = tpu.assume_multiple %squeeze3A_472, 128 : i32
      %slice3A_474 = vector.extract_strided_slice %shift_left3A_146 {offsets = [10], sizes = [1], strides = [1]} : vector<16xi32> to vector<1xi32>
      %squeeze3A_475 = vector.extract %slice3A_474[0] : i32 from vector<1xi32>
      %multiple_of3A_476 = tpu.assume_multiple %squeeze3A_475, 128 : i32
      %dma_start3A_477 = arith.constant 0 : i32
      %dma_start3A_478 = arith.constant 256 : i32
      %dma_start3A_479 = tpu.memref_slice %arg11[%dma_start3A_477, %dma_start3A_478] : memref<32x512xf32, #tpu.memory_space<vmem>> -> memref<32x128xf32, #tpu.memory_space<vmem>>
      %dma_start3A_480 = arith.constant 0 : i32
      %dma_start3A_481 = tpu.memref_slice %arg4[%dma_start3A_480, %multiple_of3A_473] : memref<32x100001xf32, #tpu.memory_space<hbm>> -> memref<32x128xf32, #tpu.memory_space<hbm>>
      %dma_start3A_482 = arith.constant 0 : i32
      %dma_start3A_483 = arith.constant 256 : i32
      %dma_start3A_484 = tpu.memref_slice %arg11[%dma_start3A_482, %dma_start3A_483] : memref<32x512xf32, #tpu.memory_space<vmem>> -> memref<32x128xf32, #tpu.memory_space<vmem>>
      %dma_start3A_485 = arith.constant 0 : i32
      %dma_start3A_486 = tpu.memref_slice %arg4[%dma_start3A_485, %multiple_of3A_473] : memref<32x100001xf32, #tpu.memory_space<hbm>> -> memref<32x128xf32, #tpu.memory_space<hbm>>
      tpu.enqueue_dma source(%dma_start3A_486 : memref<32x128xf32, #tpu.memory_space<hbm>>) target(%dma_start3A_484 : memref<32x128xf32, #tpu.memory_space<vmem>>) target_semaphore(%arg18 : memref<!tpu.dma_semaphore, #tpu.memory_space<semaphore_mem>>)
      %dma_start3A_487 = arith.constant 0 : i32
      %dma_start3A_488 = arith.constant 256 : i32
      %dma_start3A_489 = tpu.memref_slice %arg12[%dma_start3A_487, %dma_start3A_488] : memref<32x512xf32, #tpu.memory_space<vmem>> -> memref<32x128xf32, #tpu.memory_space<vmem>>
      %dma_start3A_490 = arith.constant 0 : i32
      %dma_start3A_491 = tpu.memref_slice %arg5[%dma_start3A_490, %multiple_of3A_476] : memref<32x1000000xf32, #tpu.memory_space<hbm>> -> memref<32x128xf32, #tpu.memory_space<hbm>>
      %dma_start3A_492 = arith.constant 0 : i32
      %dma_start3A_493 = arith.constant 256 : i32
      %dma_start3A_494 = tpu.memref_slice %arg12[%dma_start3A_492, %dma_start3A_493] : memref<32x512xf32, #tpu.memory_space<vmem>> -> memref<32x128xf32, #tpu.memory_space<vmem>>
      %dma_start3A_495 = arith.constant 0 : i32
      %dma_start3A_496 = tpu.memref_slice %arg5[%dma_start3A_495, %multiple_of3A_476] : memref<32x1000000xf32, #tpu.memory_space<hbm>> -> memref<32x128xf32, #tpu.memory_space<hbm>>
      tpu.enqueue_dma source(%dma_start3A_496 : memref<32x128xf32, #tpu.memory_space<hbm>>) target(%dma_start3A_494 : memref<32x128xf32, #tpu.memory_space<vmem>>) target_semaphore(%arg19 : memref<!tpu.dma_semaphore, #tpu.memory_space<semaphore_mem>>)
      %slice3A_497 = vector.extract_strided_slice %shift_left3A_140 {offsets = [11], sizes = [1], strides = [1]} : vector<16xi32> to vector<1xi32>
      %squeeze3A_498 = vector.extract %slice3A_497[0] : i32 from vector<1xi32>
      %multiple_of3A_499 = tpu.assume_multiple %squeeze3A_498, 128 : i32
      %slice3A_500 = vector.extract_strided_slice %shift_left3A_146 {offsets = [11], sizes = [1], strides = [1]} : vector<16xi32> to vector<1xi32>
      %squeeze3A_501 = vector.extract %slice3A_500[0] : i32 from vector<1xi32>
      %multiple_of3A_502 = tpu.assume_multiple %squeeze3A_501, 128 : i32
      %dma_start3A_503 = arith.constant 0 : i32
      %dma_start3A_504 = arith.constant 384 : i32
      %dma_start3A_505 = tpu.memref_slice %arg11[%dma_start3A_503, %dma_start3A_504] : memref<32x512xf32, #tpu.memory_space<vmem>> -> memref<32x128xf32, #tpu.memory_space<vmem>>
      %dma_start3A_506 = arith.constant 0 : i32
      %dma_start3A_507 = tpu.memref_slice %arg4[%dma_start3A_506, %multiple_of3A_499] : memref<32x100001xf32, #tpu.memory_space<hbm>> -> memref<32x128xf32, #tpu.memory_space<hbm>>
      %dma_start3A_508 = arith.constant 0 : i32
      %dma_start3A_509 = arith.constant 384 : i32
      %dma_start3A_510 = tpu.memref_slice %arg11[%dma_start3A_508, %dma_start3A_509] : memref<32x512xf32, #tpu.memory_space<vmem>> -> memref<32x128xf32, #tpu.memory_space<vmem>>
      %dma_start3A_511 = arith.constant 0 : i32
      %dma_start3A_512 = tpu.memref_slice %arg4[%dma_start3A_511, %multiple_of3A_499] : memref<32x100001xf32, #tpu.memory_space<hbm>> -> memref<32x128xf32, #tpu.memory_space<hbm>>
      tpu.enqueue_dma source(%dma_start3A_512 : memref<32x128xf32, #tpu.memory_space<hbm>>) target(%dma_start3A_510 : memref<32x128xf32, #tpu.memory_space<vmem>>) target_semaphore(%arg18 : memref<!tpu.dma_semaphore, #tpu.memory_space<semaphore_mem>>)
      %dma_start3A_513 = arith.constant 0 : i32
      %dma_start3A_514 = arith.constant 384 : i32
      %dma_start3A_515 = tpu.memref_slice %arg12[%dma_start3A_513, %dma_start3A_514] : memref<32x512xf32, #tpu.memory_space<vmem>> -> memref<32x128xf32, #tpu.memory_space<vmem>>
      %dma_start3A_516 = arith.constant 0 : i32
      %dma_start3A_517 = tpu.memref_slice %arg5[%dma_start3A_516, %multiple_of3A_502] : memref<32x1000000xf32, #tpu.memory_space<hbm>> -> memref<32x128xf32, #tpu.memory_space<hbm>>
      %dma_start3A_518 = arith.constant 0 : i32
      %dma_start3A_519 = arith.constant 384 : i32
      %dma_start3A_520 = tpu.memref_slice %arg12[%dma_start3A_518, %dma_start3A_519] : memref<32x512xf32, #tpu.memory_space<vmem>> -> memref<32x128xf32, #tpu.memory_space<vmem>>
      %dma_start3A_521 = arith.constant 0 : i32
      %dma_start3A_522 = tpu.memref_slice %arg5[%dma_start3A_521, %multiple_of3A_502] : memref<32x1000000xf32, #tpu.memory_space<hbm>> -> memref<32x128xf32, #tpu.memory_space<hbm>>
      tpu.enqueue_dma source(%dma_start3A_522 : memref<32x128xf32, #tpu.memory_space<hbm>>) target(%dma_start3A_520 : memref<32x128xf32, #tpu.memory_space<vmem>>) target_semaphore(%arg19 : memref<!tpu.dma_semaphore, #tpu.memory_space<semaphore_mem>>)
      %dma_wait3A_523 = arith.constant 0 : i32
      %dma_wait3A_524 = arith.constant 0 : i32
      %dma_wait3A_525 = tpu.memref_slice %arg4[%dma_wait3A_523, %dma_wait3A_524] : memref<32x100001xf32, #tpu.memory_space<hbm>> -> memref<32x512xf32, #tpu.memory_space<hbm>>
      %dma_wait3A_526 = arith.constant 0 : i32
      %dma_wait3A_527 = arith.constant 0 : i32
      %dma_wait3A_528 = tpu.memref_slice %arg4[%dma_wait3A_526, %dma_wait3A_527] : memref<32x100001xf32, #tpu.memory_space<hbm>> -> memref<32x512xf32, #tpu.memory_space<hbm>>
      tpu.wait_dma2 semaphore(%arg20 : memref<!tpu.dma_semaphore, #tpu.memory_space<semaphore_mem>>) src(%dma_wait3A_528 : memref<32x512xf32, #tpu.memory_space<hbm>>) dst(%arg13 : memref<32x512xf32, #tpu.memory_space<vmem>>)
      %dma_wait3A_529 = arith.constant 0 : i32
      %dma_wait3A_530 = arith.constant 0 : i32
      %dma_wait3A_531 = tpu.memref_slice %arg5[%dma_wait3A_529, %dma_wait3A_530] : memref<32x1000000xf32, #tpu.memory_space<hbm>> -> memref<32x512xf32, #tpu.memory_space<hbm>>
      %dma_wait3A_532 = arith.constant 0 : i32
      %dma_wait3A_533 = arith.constant 0 : i32
      %dma_wait3A_534 = tpu.memref_slice %arg5[%dma_wait3A_532, %dma_wait3A_533] : memref<32x1000000xf32, #tpu.memory_space<hbm>> -> memref<32x512xf32, #tpu.memory_space<hbm>>
      tpu.wait_dma2 semaphore(%arg21 : memref<!tpu.dma_semaphore, #tpu.memory_space<semaphore_mem>>) src(%dma_wait3A_534 : memref<32x512xf32, #tpu.memory_space<hbm>>) dst(%arg14 : memref<32x512xf32, #tpu.memory_space<vmem>>)
      %slice3A_535 = vector.extract_strided_slice %and3A_148 {offsets = [4], sizes = [1], strides = [1]} : vector<16xi32> to vector<1xi32>
      %squeeze3A_536 = vector.extract %slice3A_535[0] : i32 from vector<1xi32>
      %add3A_537 = arith.constant 0 : i32
      %add3A_538 = arith.addi %add3A_537, %squeeze3A_536 : i32
      %broadcast_in_dim3A_539 = vector.broadcast %add3A_538 : i32 to vector<16xi32>
      %slice3A_540 = vector.extract_strided_slice %and3A_151 {offsets = [4], sizes = [1], strides = [1]} : vector<16xi32> to vector<1xi32>
      %squeeze3A_541 = vector.extract %slice3A_540[0] : i32 from vector<1xi32>
      %add3A_542 = arith.constant 0 : i32
      %add3A_543 = arith.addi %add3A_542, %squeeze3A_541 : i32
      %broadcast_in_dim3A_544 = vector.broadcast %add3A_543 : i32 to vector<16xi32>
      %gather3A_545 = tpu.vector_load_idx %arg13[%iota3A, %broadcast_in_dim3A_539] : memref<32x512xf32, #tpu.memory_space<vmem>>[vector<16xi32>, vector<16xi32>], vector<16xf32>,
      %add3A_546 = arith.constant 16 : i32
      %add3A_547 = vector.broadcast %add3A_546 : i32 to vector<16xi32>
      %add3A_548 = arith.addi %iota3A, %add3A_547 : vector<16xi32>
      %gather3A_549 = tpu.vector_load_idx %arg13[%add3A_548, %broadcast_in_dim3A_539] : memref<32x512xf32, #tpu.memory_space<vmem>>[vector<16xi32>, vector<16xi32>], vector<16xf32>,
      %gather3A_550 = tpu.vector_load_idx %arg14[%iota3A, %broadcast_in_dim3A_544] : memref<32x512xf32, #tpu.memory_space<vmem>>[vector<16xi32>, vector<16xi32>], vector<16xf32>,
      %add3A_551 = arith.constant 16 : i32
      %add3A_552 = vector.broadcast %add3A_551 : i32 to vector<16xi32>
      %add3A_553 = arith.addi %iota3A, %add3A_552 : vector<16xi32>
      %gather3A_554 = tpu.vector_load_idx %arg14[%add3A_553, %broadcast_in_dim3A_544] : memref<32x512xf32, #tpu.memory_space<vmem>>[vector<16xi32>, vector<16xi32>], vector<16xf32>,
      %mul3A_555 = arith.mulf %gather3A_545, %gather3A_550 : vector<16xf32>
      %mul3A_556 = arith.mulf %mul3A_555, %get3A_5 : vector<16xf32>
      %mul3A_557 = arith.mulf %gather3A_549, %gather3A_554 : vector<16xf32>
      %mul3A_558 = arith.mulf %mul3A_557, %get3A_7 : vector<16xf32>
      %add3A_559 = arith.addf %mul3A_556, %mul3A_558 : vector<16xf32>
      %reduce_sum3A_560 = arith.constant true
      %reduce_sum3A_561 = vector.broadcast %reduce_sum3A_560 : i1 to vector<16xi1>
      %reduce_sum3A_562 = tpu.scan <sum>, %add3A_559 masked %reduce_sum3A_561 : vector<16xf32>, vector<16xi1> -> vector<16xf32>
      %reduce_sum3A_563 = vector.extract %reduce_sum3A_562[15] : f32 from vector<16xf32>
      %eq3A_564 = arith.constant 4 : i32
      %eq3A_565 = vector.broadcast %eq3A_564 : i32 to vector<16xi32>
      %eq3A_566 = arith.cmpi eq, %iota3A, %eq3A_565 : vector<16xi32>
      %broadcast_in_dim3A_567 = vector.broadcast %reduce_sum3A_563 : f32 to vector<16xf32>
      %select_n3A_568 = arith.select %eq3A_566, %broadcast_in_dim3A_567, %select_n3A_418 : vector<16xi1>, vector<16xf32>
      %slice3A_569 = vector.extract_strided_slice %and3A_148 {offsets = [5], sizes = [1], strides = [1]} : vector<16xi32> to vector<1xi32>
      %squeeze3A_570 = vector.extract %slice3A_569[0] : i32 from vector<1xi32>
      %add3A_571 = arith.constant 128 : i32
      %add3A_572 = arith.addi %add3A_571, %squeeze3A_570 : i32
      %broadcast_in_dim3A_573 = vector.broadcast %add3A_572 : i32 to vector<16xi32>
      %slice3A_574 = vector.extract_strided_slice %and3A_151 {offsets = [5], sizes = [1], strides = [1]} : vector<16xi32> to vector<1xi32>
      %squeeze3A_575 = vector.extract %slice3A_574[0] : i32 from vector<1xi32>
      %add3A_576 = arith.constant 128 : i32
      %add3A_577 = arith.addi %add3A_576, %squeeze3A_575 : i32
      %broadcast_in_dim3A_578 = vector.broadcast %add3A_577 : i32 to vector<16xi32>
      %gather3A_579 = tpu.vector_load_idx %arg13[%iota3A, %broadcast_in_dim3A_573] : memref<32x512xf32, #tpu.memory_space<vmem>>[vector<16xi32>, vector<16xi32>], vector<16xf32>,
      %add3A_580 = arith.constant 16 : i32
      %add3A_581 = vector.broadcast %add3A_580 : i32 to vector<16xi32>
      %add3A_582 = arith.addi %iota3A, %add3A_581 : vector<16xi32>
      %gather3A_583 = tpu.vector_load_idx %arg13[%add3A_582, %broadcast_in_dim3A_573] : memref<32x512xf32, #tpu.memory_space<vmem>>[vector<16xi32>, vector<16xi32>], vector<16xf32>,
      %gather3A_584 = tpu.vector_load_idx %arg14[%iota3A, %broadcast_in_dim3A_578] : memref<32x512xf32, #tpu.memory_space<vmem>>[vector<16xi32>, vector<16xi32>], vector<16xf32>,
      %add3A_585 = arith.constant 16 : i32
      %add3A_586 = vector.broadcast %add3A_585 : i32 to vector<16xi32>
      %add3A_587 = arith.addi %iota3A, %add3A_586 : vector<16xi32>
      %gather3A_588 = tpu.vector_load_idx %arg14[%add3A_587, %broadcast_in_dim3A_578] : memref<32x512xf32, #tpu.memory_space<vmem>>[vector<16xi32>, vector<16xi32>], vector<16xf32>,
      %mul3A_589 = arith.mulf %gather3A_579, %gather3A_584 : vector<16xf32>
      %mul3A_590 = arith.mulf %mul3A_589, %get3A_5 : vector<16xf32>
      %mul3A_591 = arith.mulf %gather3A_583, %gather3A_588 : vector<16xf32>
      %mul3A_592 = arith.mulf %mul3A_591, %get3A_7 : vector<16xf32>
      %add3A_593 = arith.addf %mul3A_590, %mul3A_592 : vector<16xf32>
      %reduce_sum3A_594 = arith.constant true
      %reduce_sum3A_595 = vector.broadcast %reduce_sum3A_594 : i1 to vector<16xi1>
      %reduce_sum3A_596 = tpu.scan <sum>, %add3A_593 masked %reduce_sum3A_595 : vector<16xf32>, vector<16xi1> -> vector<16xf32>
      %reduce_sum3A_597 = vector.extract %reduce_sum3A_596[15] : f32 from vector<16xf32>
      %eq3A_598 = arith.constant 5 : i32
      %eq3A_599 = vector.broadcast %eq3A_598 : i32 to vector<16xi32>
      %eq3A_600 = arith.cmpi eq, %iota3A, %eq3A_599 : vector<16xi32>
      %broadcast_in_dim3A_601 = vector.broadcast %reduce_sum3A_597 : f32 to vector<16xf32>
      %select_n3A_602 = arith.select %eq3A_600, %broadcast_in_dim3A_601, %select_n3A_568 : vector<16xi1>, vector<16xf32>
      %slice3A_603 = vector.extract_strided_slice %and3A_148 {offsets = [6], sizes = [1], strides = [1]} : vector<16xi32> to vector<1xi32>
      %squeeze3A_604 = vector.extract %slice3A_603[0] : i32 from vector<1xi32>
      %add3A_605 = arith.constant 256 : i32
      %add3A_606 = arith.addi %add3A_605, %squeeze3A_604 : i32
      %broadcast_in_dim3A_607 = vector.broadcast %add3A_606 : i32 to vector<16xi32>
      %slice3A_608 = vector.extract_strided_slice %and3A_151 {offsets = [6], sizes = [1], strides = [1]} : vector<16xi32> to vector<1xi32>
      %squeeze3A_609 = vector.extract %slice3A_608[0] : i32 from vector<1xi32>
      %add3A_610 = arith.constant 256 : i32
      %add3A_611 = arith.addi %add3A_610, %squeeze3A_609 : i32
      %broadcast_in_dim3A_612 = vector.broadcast %add3A_611 : i32 to vector<16xi32>
      %gather3A_613 = tpu.vector_load_idx %arg13[%iota3A, %broadcast_in_dim3A_607] : memref<32x512xf32, #tpu.memory_space<vmem>>[vector<16xi32>, vector<16xi32>], vector<16xf32>,
      %add3A_614 = arith.constant 16 : i32
      %add3A_615 = vector.broadcast %add3A_614 : i32 to vector<16xi32>
      %add3A_616 = arith.addi %iota3A, %add3A_615 : vector<16xi32>
      %gather3A_617 = tpu.vector_load_idx %arg13[%add3A_616, %broadcast_in_dim3A_607] : memref<32x512xf32, #tpu.memory_space<vmem>>[vector<16xi32>, vector<16xi32>], vector<16xf32>,
      %gather3A_618 = tpu.vector_load_idx %arg14[%iota3A, %broadcast_in_dim3A_612] : memref<32x512xf32, #tpu.memory_space<vmem>>[vector<16xi32>, vector<16xi32>], vector<16xf32>,
      %add3A_619 = arith.constant 16 : i32
      %add3A_620 = vector.broadcast %add3A_619 : i32 to vector<16xi32>
      %add3A_621 = arith.addi %iota3A, %add3A_620 : vector<16xi32>
      %gather3A_622 = tpu.vector_load_idx %arg14[%add3A_621, %broadcast_in_dim3A_612] : memref<32x512xf32, #tpu.memory_space<vmem>>[vector<16xi32>, vector<16xi32>], vector<16xf32>,
      %mul3A_623 = arith.mulf %gather3A_613, %gather3A_618 : vector<16xf32>
      %mul3A_624 = arith.mulf %mul3A_623, %get3A_5 : vector<16xf32>
      %mul3A_625 = arith.mulf %gather3A_617, %gather3A_622 : vector<16xf32>
      %mul3A_626 = arith.mulf %mul3A_625, %get3A_7 : vector<16xf32>
      %add3A_627 = arith.addf %mul3A_624, %mul3A_626 : vector<16xf32>
      %reduce_sum3A_628 = arith.constant true
      %reduce_sum3A_629 = vector.broadcast %reduce_sum3A_628 : i1 to vector<16xi1>
      %reduce_sum3A_630 = tpu.scan <sum>, %add3A_627 masked %reduce_sum3A_629 : vector<16xf32>, vector<16xi1> -> vector<16xf32>
      %reduce_sum3A_631 = vector.extract %reduce_sum3A_630[15] : f32 from vector<16xf32>
      %eq3A_632 = arith.constant 6 : i32
      %eq3A_633 = vector.broadcast %eq3A_632 : i32 to vector<16xi32>
      %eq3A_634 = arith.cmpi eq, %iota3A, %eq3A_633 : vector<16xi32>
      %broadcast_in_dim3A_635 = vector.broadcast %reduce_sum3A_631 : f32 to vector<16xf32>
      %select_n3A_636 = arith.select %eq3A_634, %broadcast_in_dim3A_635, %select_n3A_602 : vector<16xi1>, vector<16xf32>
      %slice3A_637 = vector.extract_strided_slice %and3A_148 {offsets = [7], sizes = [1], strides = [1]} : vector<16xi32> to vector<1xi32>
      %squeeze3A_638 = vector.extract %slice3A_637[0] : i32 from vector<1xi32>
      %add3A_639 = arith.constant 384 : i32
      %add3A_640 = arith.addi %add3A_639, %squeeze3A_638 : i32
      %broadcast_in_dim3A_641 = vector.broadcast %add3A_640 : i32 to vector<16xi32>
      %slice3A_642 = vector.extract_strided_slice %and3A_151 {offsets = [7], sizes = [1], strides = [1]} : vector<16xi32> to vector<1xi32>
      %squeeze3A_643 = vector.extract %slice3A_642[0] : i32 from vector<1xi32>
      %add3A_644 = arith.constant 384 : i32
      %add3A_645 = arith.addi %add3A_644, %squeeze3A_643 : i32
      %broadcast_in_dim3A_646 = vector.broadcast %add3A_645 : i32 to vector<16xi32>
      %gather3A_647 = tpu.vector_load_idx %arg13[%iota3A, %broadcast_in_dim3A_641] : memref<32x512xf32, #tpu.memory_space<vmem>>[vector<16xi32>, vector<16xi32>], vector<16xf32>,
      %add3A_648 = arith.constant 16 : i32
      %add3A_649 = vector.broadcast %add3A_648 : i32 to vector<16xi32>
      %add3A_650 = arith.addi %iota3A, %add3A_649 : vector<16xi32>
      %gather3A_651 = tpu.vector_load_idx %arg13[%add3A_650, %broadcast_in_dim3A_641] : memref<32x512xf32, #tpu.memory_space<vmem>>[vector<16xi32>, vector<16xi32>], vector<16xf32>,
      %gather3A_652 = tpu.vector_load_idx %arg14[%iota3A, %broadcast_in_dim3A_646] : memref<32x512xf32, #tpu.memory_space<vmem>>[vector<16xi32>, vector<16xi32>], vector<16xf32>,
      %add3A_653 = arith.constant 16 : i32
      %add3A_654 = vector.broadcast %add3A_653 : i32 to vector<16xi32>
      %add3A_655 = arith.addi %iota3A, %add3A_654 : vector<16xi32>
      %gather3A_656 = tpu.vector_load_idx %arg14[%add3A_655, %broadcast_in_dim3A_646] : memref<32x512xf32, #tpu.memory_space<vmem>>[vector<16xi32>, vector<16xi32>], vector<16xf32>,
      %mul3A_657 = arith.mulf %gather3A_647, %gather3A_652 : vector<16xf32>
      %mul3A_658 = arith.mulf %mul3A_657, %get3A_5 : vector<16xf32>
      %mul3A_659 = arith.mulf %gather3A_651, %gather3A_656 : vector<16xf32>
      %mul3A_660 = arith.mulf %mul3A_659, %get3A_7 : vector<16xf32>
      %add3A_661 = arith.addf %mul3A_658, %mul3A_660 : vector<16xf32>
      %reduce_sum3A_662 = arith.constant true
      %reduce_sum3A_663 = vector.broadcast %reduce_sum3A_662 : i1 to vector<16xi1>
      %reduce_sum3A_664 = tpu.scan <sum>, %add3A_661 masked %reduce_sum3A_663 : vector<16xf32>, vector<16xi1> -> vector<16xf32>
      %reduce_sum3A_665 = vector.extract %reduce_sum3A_664[15] : f32 from vector<16xf32>
      %eq3A_666 = arith.constant 7 : i32
      %eq3A_667 = vector.broadcast %eq3A_666 : i32 to vector<16xi32>
      %eq3A_668 = arith.cmpi eq, %iota3A, %eq3A_667 : vector<16xi32>
      %broadcast_in_dim3A_669 = vector.broadcast %reduce_sum3A_665 : f32 to vector<16xf32>
      %select_n3A_670 = arith.select %eq3A_668, %broadcast_in_dim3A_669, %select_n3A_636 : vector<16xi1>, vector<16xf32>
      %slice3A_671 = vector.extract_strided_slice %shift_left3A_140 {offsets = [12], sizes = [1], strides = [1]} : vector<16xi32> to vector<1xi32>
      %squeeze3A_672 = vector.extract %slice3A_671[0] : i32 from vector<1xi32>
      %multiple_of3A_673 = tpu.assume_multiple %squeeze3A_672, 128 : i32
      %slice3A_674 = vector.extract_strided_slice %shift_left3A_146 {offsets = [12], sizes = [1], strides = [1]} : vector<16xi32> to vector<1xi32>
      %squeeze3A_675 = vector.extract %slice3A_674[0] : i32 from vector<1xi32>
      %multiple_of3A_676 = tpu.assume_multiple %squeeze3A_675, 128 : i32
      %dma_start3A_677 = arith.constant 0 : i32
      %dma_start3A_678 = arith.constant 0 : i32
      %dma_start3A_679 = tpu.memref_slice %arg13[%dma_start3A_677, %dma_start3A_678] : memref<32x512xf32, #tpu.memory_space<vmem>> -> memref<32x128xf32, #tpu.memory_space<vmem>>
      %dma_start3A_680 = arith.constant 0 : i32
      %dma_start3A_681 = tpu.memref_slice %arg4[%dma_start3A_680, %multiple_of3A_673] : memref<32x100001xf32, #tpu.memory_space<hbm>> -> memref<32x128xf32, #tpu.memory_space<hbm>>
      %dma_start3A_682 = arith.constant 0 : i32
      %dma_start3A_683 = arith.constant 0 : i32
      %dma_start3A_684 = tpu.memref_slice %arg13[%dma_start3A_682, %dma_start3A_683] : memref<32x512xf32, #tpu.memory_space<vmem>> -> memref<32x128xf32, #tpu.memory_space<vmem>>
      %dma_start3A_685 = arith.constant 0 : i32
      %dma_start3A_686 = tpu.memref_slice %arg4[%dma_start3A_685, %multiple_of3A_673] : memref<32x100001xf32, #tpu.memory_space<hbm>> -> memref<32x128xf32, #tpu.memory_space<hbm>>
      tpu.enqueue_dma source(%dma_start3A_686 : memref<32x128xf32, #tpu.memory_space<hbm>>) target(%dma_start3A_684 : memref<32x128xf32, #tpu.memory_space<vmem>>) target_semaphore(%arg20 : memref<!tpu.dma_semaphore, #tpu.memory_space<semaphore_mem>>)
      %dma_start3A_687 = arith.constant 0 : i32
      %dma_start3A_688 = arith.constant 0 : i32
      %dma_start3A_689 = tpu.memref_slice %arg14[%dma_start3A_687, %dma_start3A_688] : memref<32x512xf32, #tpu.memory_space<vmem>> -> memref<32x128xf32, #tpu.memory_space<vmem>>
      %dma_start3A_690 = arith.constant 0 : i32
      %dma_start3A_691 = tpu.memref_slice %arg5[%dma_start3A_690, %multiple_of3A_676] : memref<32x1000000xf32, #tpu.memory_space<hbm>> -> memref<32x128xf32, #tpu.memory_space<hbm>>
      %dma_start3A_692 = arith.constant 0 : i32
      %dma_start3A_693 = arith.constant 0 : i32
      %dma_start3A_694 = tpu.memref_slice %arg14[%dma_start3A_692, %dma_start3A_693] : memref<32x512xf32, #tpu.memory_space<vmem>> -> memref<32x128xf32, #tpu.memory_space<vmem>>
      %dma_start3A_695 = arith.constant 0 : i32
      %dma_start3A_696 = tpu.memref_slice %arg5[%dma_start3A_695, %multiple_of3A_676] : memref<32x1000000xf32, #tpu.memory_space<hbm>> -> memref<32x128xf32, #tpu.memory_space<hbm>>
      tpu.enqueue_dma source(%dma_start3A_696 : memref<32x128xf32, #tpu.memory_space<hbm>>) target(%dma_start3A_694 : memref<32x128xf32, #tpu.memory_space<vmem>>) target_semaphore(%arg21 : memref<!tpu.dma_semaphore, #tpu.memory_space<semaphore_mem>>)
      %slice3A_697 = vector.extract_strided_slice %shift_left3A_140 {offsets = [13], sizes = [1], strides = [1]} : vector<16xi32> to vector<1xi32>
      %squeeze3A_698 = vector.extract %slice3A_697[0] : i32 from vector<1xi32>
      %multiple_of3A_699 = tpu.assume_multiple %squeeze3A_698, 128 : i32
      %slice3A_700 = vector.extract_strided_slice %shift_left3A_146 {offsets = [13], sizes = [1], strides = [1]} : vector<16xi32> to vector<1xi32>
      %squeeze3A_701 = vector.extract %slice3A_700[0] : i32 from vector<1xi32>
      %multiple_of3A_702 = tpu.assume_multiple %squeeze3A_701, 128 : i32
      %dma_start3A_703 = arith.constant 0 : i32
      %dma_start3A_704 = arith.constant 128 : i32
      %dma_start3A_705 = tpu.memref_slice %arg13[%dma_start3A_703, %dma_start3A_704] : memref<32x512xf32, #tpu.memory_space<vmem>> -> memref<32x128xf32, #tpu.memory_space<vmem>>
      %dma_start3A_706 = arith.constant 0 : i32
      %dma_start3A_707 = tpu.memref_slice %arg4[%dma_start3A_706, %multiple_of3A_699] : memref<32x100001xf32, #tpu.memory_space<hbm>> -> memref<32x128xf32, #tpu.memory_space<hbm>>
      %dma_start3A_708 = arith.constant 0 : i32
      %dma_start3A_709 = arith.constant 128 : i32
      %dma_start3A_710 = tpu.memref_slice %arg13[%dma_start3A_708, %dma_start3A_709] : memref<32x512xf32, #tpu.memory_space<vmem>> -> memref<32x128xf32, #tpu.memory_space<vmem>>
      %dma_start3A_711 = arith.constant 0 : i32
      %dma_start3A_712 = tpu.memref_slice %arg4[%dma_start3A_711, %multiple_of3A_699] : memref<32x100001xf32, #tpu.memory_space<hbm>> -> memref<32x128xf32, #tpu.memory_space<hbm>>
      tpu.enqueue_dma source(%dma_start3A_712 : memref<32x128xf32, #tpu.memory_space<hbm>>) target(%dma_start3A_710 : memref<32x128xf32, #tpu.memory_space<vmem>>) target_semaphore(%arg20 : memref<!tpu.dma_semaphore, #tpu.memory_space<semaphore_mem>>)
      %dma_start3A_713 = arith.constant 0 : i32
      %dma_start3A_714 = arith.constant 128 : i32
      %dma_start3A_715 = tpu.memref_slice %arg14[%dma_start3A_713, %dma_start3A_714] : memref<32x512xf32, #tpu.memory_space<vmem>> -> memref<32x128xf32, #tpu.memory_space<vmem>>
      %dma_start3A_716 = arith.constant 0 : i32
      %dma_start3A_717 = tpu.memref_slice %arg5[%dma_start3A_716, %multiple_of3A_702] : memref<32x1000000xf32, #tpu.memory_space<hbm>> -> memref<32x128xf32, #tpu.memory_space<hbm>>
      %dma_start3A_718 = arith.constant 0 : i32
      %dma_start3A_719 = arith.constant 128 : i32
      %dma_start3A_720 = tpu.memref_slice %arg14[%dma_start3A_718, %dma_start3A_719] : memref<32x512xf32, #tpu.memory_space<vmem>> -> memref<32x128xf32, #tpu.memory_space<vmem>>
      %dma_start3A_721 = arith.constant 0 : i32
      %dma_start3A_722 = tpu.memref_slice %arg5[%dma_start3A_721, %multiple_of3A_702] : memref<32x1000000xf32, #tpu.memory_space<hbm>> -> memref<32x128xf32, #tpu.memory_space<hbm>>
      tpu.enqueue_dma source(%dma_start3A_722 : memref<32x128xf32, #tpu.memory_space<hbm>>) target(%dma_start3A_720 : memref<32x128xf32, #tpu.memory_space<vmem>>) target_semaphore(%arg21 : memref<!tpu.dma_semaphore, #tpu.memory_space<semaphore_mem>>)
      %slice3A_723 = vector.extract_strided_slice %shift_left3A_140 {offsets = [14], sizes = [1], strides = [1]} : vector<16xi32> to vector<1xi32>
      %squeeze3A_724 = vector.extract %slice3A_723[0] : i32 from vector<1xi32>
      %multiple_of3A_725 = tpu.assume_multiple %squeeze3A_724, 128 : i32
      %slice3A_726 = vector.extract_strided_slice %shift_left3A_146 {offsets = [14], sizes = [1], strides = [1]} : vector<16xi32> to vector<1xi32>
      %squeeze3A_727 = vector.extract %slice3A_726[0] : i32 from vector<1xi32>
      %multiple_of3A_728 = tpu.assume_multiple %squeeze3A_727, 128 : i32
      %dma_start3A_729 = arith.constant 0 : i32
      %dma_start3A_730 = arith.constant 256 : i32
      %dma_start3A_731 = tpu.memref_slice %arg13[%dma_start3A_729, %dma_start3A_730] : memref<32x512xf32, #tpu.memory_space<vmem>> -> memref<32x128xf32, #tpu.memory_space<vmem>>
      %dma_start3A_732 = arith.constant 0 : i32
      %dma_start3A_733 = tpu.memref_slice %arg4[%dma_start3A_732, %multiple_of3A_725] : memref<32x100001xf32, #tpu.memory_space<hbm>> -> memref<32x128xf32, #tpu.memory_space<hbm>>
      %dma_start3A_734 = arith.constant 0 : i32
      %dma_start3A_735 = arith.constant 256 : i32
      %dma_start3A_736 = tpu.memref_slice %arg13[%dma_start3A_734, %dma_start3A_735] : memref<32x512xf32, #tpu.memory_space<vmem>> -> memref<32x128xf32, #tpu.memory_space<vmem>>
      %dma_start3A_737 = arith.constant 0 : i32
      %dma_start3A_738 = tpu.memref_slice %arg4[%dma_start3A_737, %multiple_of3A_725] : memref<32x100001xf32, #tpu.memory_space<hbm>> -> memref<32x128xf32, #tpu.memory_space<hbm>>
      tpu.enqueue_dma source(%dma_start3A_738 : memref<32x128xf32, #tpu.memory_space<hbm>>) target(%dma_start3A_736 : memref<32x128xf32, #tpu.memory_space<vmem>>) target_semaphore(%arg20 : memref<!tpu.dma_semaphore, #tpu.memory_space<semaphore_mem>>)
      %dma_start3A_739 = arith.constant 0 : i32
      %dma_start3A_740 = arith.constant 256 : i32
      %dma_start3A_741 = tpu.memref_slice %arg14[%dma_start3A_739, %dma_start3A_740] : memref<32x512xf32, #tpu.memory_space<vmem>> -> memref<32x128xf32, #tpu.memory_space<vmem>>
      %dma_start3A_742 = arith.constant 0 : i32
      %dma_start3A_743 = tpu.memref_slice %arg5[%dma_start3A_742, %multiple_of3A_728] : memref<32x1000000xf32, #tpu.memory_space<hbm>> -> memref<32x128xf32, #tpu.memory_space<hbm>>
      %dma_start3A_744 = arith.constant 0 : i32
      %dma_start3A_745 = arith.constant 256 : i32
      %dma_start3A_746 = tpu.memref_slice %arg14[%dma_start3A_744, %dma_start3A_745] : memref<32x512xf32, #tpu.memory_space<vmem>> -> memref<32x128xf32, #tpu.memory_space<vmem>>
      %dma_start3A_747 = arith.constant 0 : i32
      %dma_start3A_748 = tpu.memref_slice %arg5[%dma_start3A_747, %multiple_of3A_728] : memref<32x1000000xf32, #tpu.memory_space<hbm>> -> memref<32x128xf32, #tpu.memory_space<hbm>>
      tpu.enqueue_dma source(%dma_start3A_748 : memref<32x128xf32, #tpu.memory_space<hbm>>) target(%dma_start3A_746 : memref<32x128xf32, #tpu.memory_space<vmem>>) target_semaphore(%arg21 : memref<!tpu.dma_semaphore, #tpu.memory_space<semaphore_mem>>)
      %slice3A_749 = vector.extract_strided_slice %shift_left3A_140 {offsets = [15], sizes = [1], strides = [1]} : vector<16xi32> to vector<1xi32>
      %squeeze3A_750 = vector.extract %slice3A_749[0] : i32 from vector<1xi32>
      %multiple_of3A_751 = tpu.assume_multiple %squeeze3A_750, 128 : i32
      %slice3A_752 = vector.extract_strided_slice %shift_left3A_146 {offsets = [15], sizes = [1], strides = [1]} : vector<16xi32> to vector<1xi32>
      %squeeze3A_753 = vector.extract %slice3A_752[0] : i32 from vector<1xi32>
      %multiple_of3A_754 = tpu.assume_multiple %squeeze3A_753, 128 : i32
      %dma_start3A_755 = arith.constant 0 : i32
      %dma_start3A_756 = arith.constant 384 : i32
      %dma_start3A_757 = tpu.memref_slice %arg13[%dma_start3A_755, %dma_start3A_756] : memref<32x512xf32, #tpu.memory_space<vmem>> -> memref<32x128xf32, #tpu.memory_space<vmem>>
      %dma_start3A_758 = arith.constant 0 : i32
      %dma_start3A_759 = tpu.memref_slice %arg4[%dma_start3A_758, %multiple_of3A_751] : memref<32x100001xf32, #tpu.memory_space<hbm>> -> memref<32x128xf32, #tpu.memory_space<hbm>>
      %dma_start3A_760 = arith.constant 0 : i32
      %dma_start3A_761 = arith.constant 384 : i32
      %dma_start3A_762 = tpu.memref_slice %arg13[%dma_start3A_760, %dma_start3A_761] : memref<32x512xf32, #tpu.memory_space<vmem>> -> memref<32x128xf32, #tpu.memory_space<vmem>>
      %dma_start3A_763 = arith.constant 0 : i32
      %dma_start3A_764 = tpu.memref_slice %arg4[%dma_start3A_763, %multiple_of3A_751] : memref<32x100001xf32, #tpu.memory_space<hbm>> -> memref<32x128xf32, #tpu.memory_space<hbm>>
      tpu.enqueue_dma source(%dma_start3A_764 : memref<32x128xf32, #tpu.memory_space<hbm>>) target(%dma_start3A_762 : memref<32x128xf32, #tpu.memory_space<vmem>>) target_semaphore(%arg20 : memref<!tpu.dma_semaphore, #tpu.memory_space<semaphore_mem>>)
      %dma_start3A_765 = arith.constant 0 : i32
      %dma_start3A_766 = arith.constant 384 : i32
      %dma_start3A_767 = tpu.memref_slice %arg14[%dma_start3A_765, %dma_start3A_766] : memref<32x512xf32, #tpu.memory_space<vmem>> -> memref<32x128xf32, #tpu.memory_space<vmem>>
      %dma_start3A_768 = arith.constant 0 : i32
      %dma_start3A_769 = tpu.memref_slice %arg5[%dma_start3A_768, %multiple_of3A_754] : memref<32x1000000xf32, #tpu.memory_space<hbm>> -> memref<32x128xf32, #tpu.memory_space<hbm>>
      %dma_start3A_770 = arith.constant 0 : i32
      %dma_start3A_771 = arith.constant 384 : i32
      %dma_start3A_772 = tpu.memref_slice %arg14[%dma_start3A_770, %dma_start3A_771] : memref<32x512xf32, #tpu.memory_space<vmem>> -> memref<32x128xf32, #tpu.memory_space<vmem>>
      %dma_start3A_773 = arith.constant 0 : i32
      %dma_start3A_774 = tpu.memref_slice %arg5[%dma_start3A_773, %multiple_of3A_754] : memref<32x1000000xf32, #tpu.memory_space<hbm>> -> memref<32x128xf32, #tpu.memory_space<hbm>>
      tpu.enqueue_dma source(%dma_start3A_774 : memref<32x128xf32, #tpu.memory_space<hbm>>) target(%dma_start3A_772 : memref<32x128xf32, #tpu.memory_space<vmem>>) target_semaphore(%arg21 : memref<!tpu.dma_semaphore, #tpu.memory_space<semaphore_mem>>)
      %dma_wait3A_775 = arith.constant 0 : i32
      %dma_wait3A_776 = arith.constant 0 : i32
      %dma_wait3A_777 = tpu.memref_slice %arg4[%dma_wait3A_775, %dma_wait3A_776] : memref<32x100001xf32, #tpu.memory_space<hbm>> -> memref<32x512xf32, #tpu.memory_space<hbm>>
      %dma_wait3A_778 = arith.constant 0 : i32
      %dma_wait3A_779 = arith.constant 0 : i32
      %dma_wait3A_780 = tpu.memref_slice %arg4[%dma_wait3A_778, %dma_wait3A_779] : memref<32x100001xf32, #tpu.memory_space<hbm>> -> memref<32x512xf32, #tpu.memory_space<hbm>>
      tpu.wait_dma2 semaphore(%arg18 : memref<!tpu.dma_semaphore, #tpu.memory_space<semaphore_mem>>) src(%dma_wait3A_780 : memref<32x512xf32, #tpu.memory_space<hbm>>) dst(%arg11 : memref<32x512xf32, #tpu.memory_space<vmem>>)
      %dma_wait3A_781 = arith.constant 0 : i32
      %dma_wait3A_782 = arith.constant 0 : i32
      %dma_wait3A_783 = tpu.memref_slice %arg5[%dma_wait3A_781, %dma_wait3A_782] : memref<32x1000000xf32, #tpu.memory_space<hbm>> -> memref<32x512xf32, #tpu.memory_space<hbm>>
      %dma_wait3A_784 = arith.constant 0 : i32
      %dma_wait3A_785 = arith.constant 0 : i32
      %dma_wait3A_786 = tpu.memref_slice %arg5[%dma_wait3A_784, %dma_wait3A_785] : memref<32x1000000xf32, #tpu.memory_space<hbm>> -> memref<32x512xf32, #tpu.memory_space<hbm>>
      tpu.wait_dma2 semaphore(%arg19 : memref<!tpu.dma_semaphore, #tpu.memory_space<semaphore_mem>>) src(%dma_wait3A_786 : memref<32x512xf32, #tpu.memory_space<hbm>>) dst(%arg12 : memref<32x512xf32, #tpu.memory_space<vmem>>)
      %slice3A_787 = vector.extract_strided_slice %and3A_148 {offsets = [8], sizes = [1], strides = [1]} : vector<16xi32> to vector<1xi32>
      %squeeze3A_788 = vector.extract %slice3A_787[0] : i32 from vector<1xi32>
      %add3A_789 = arith.constant 0 : i32
      %add3A_790 = arith.addi %add3A_789, %squeeze3A_788 : i32
      %broadcast_in_dim3A_791 = vector.broadcast %add3A_790 : i32 to vector<16xi32>
      %slice3A_792 = vector.extract_strided_slice %and3A_151 {offsets = [8], sizes = [1], strides = [1]} : vector<16xi32> to vector<1xi32>
      %squeeze3A_793 = vector.extract %slice3A_792[0] : i32 from vector<1xi32>
      %add3A_794 = arith.constant 0 : i32
      %add3A_795 = arith.addi %add3A_794, %squeeze3A_793 : i32
      %broadcast_in_dim3A_796 = vector.broadcast %add3A_795 : i32 to vector<16xi32>
      %gather3A_797 = tpu.vector_load_idx %arg11[%iota3A, %broadcast_in_dim3A_791] : memref<32x512xf32, #tpu.memory_space<vmem>>[vector<16xi32>, vector<16xi32>], vector<16xf32>,
      %add3A_798 = arith.constant 16 : i32
      %add3A_799 = vector.broadcast %add3A_798 : i32 to vector<16xi32>
      %add3A_800 = arith.addi %iota3A, %add3A_799 : vector<16xi32>
      %gather3A_801 = tpu.vector_load_idx %arg11[%add3A_800, %broadcast_in_dim3A_791] : memref<32x512xf32, #tpu.memory_space<vmem>>[vector<16xi32>, vector<16xi32>], vector<16xf32>,
      %gather3A_802 = tpu.vector_load_idx %arg12[%iota3A, %broadcast_in_dim3A_796] : memref<32x512xf32, #tpu.memory_space<vmem>>[vector<16xi32>, vector<16xi32>], vector<16xf32>,
      %add3A_803 = arith.constant 16 : i32
      %add3A_804 = vector.broadcast %add3A_803 : i32 to vector<16xi32>
      %add3A_805 = arith.addi %iota3A, %add3A_804 : vector<16xi32>
      %gather3A_806 = tpu.vector_load_idx %arg12[%add3A_805, %broadcast_in_dim3A_796] : memref<32x512xf32, #tpu.memory_space<vmem>>[vector<16xi32>, vector<16xi32>], vector<16xf32>,
      %mul3A_807 = arith.mulf %gather3A_797, %gather3A_802 : vector<16xf32>
      %mul3A_808 = arith.mulf %mul3A_807, %get3A_5 : vector<16xf32>
      %mul3A_809 = arith.mulf %gather3A_801, %gather3A_806 : vector<16xf32>
      %mul3A_810 = arith.mulf %mul3A_809, %get3A_7 : vector<16xf32>
      %add3A_811 = arith.addf %mul3A_808, %mul3A_810 : vector<16xf32>
      %reduce_sum3A_812 = arith.constant true
      %reduce_sum3A_813 = vector.broadcast %reduce_sum3A_812 : i1 to vector<16xi1>
      %reduce_sum3A_814 = tpu.scan <sum>, %add3A_811 masked %reduce_sum3A_813 : vector<16xf32>, vector<16xi1> -> vector<16xf32>
      %reduce_sum3A_815 = vector.extract %reduce_sum3A_814[15] : f32 from vector<16xf32>
      %eq3A_816 = arith.constant 8 : i32
      %eq3A_817 = vector.broadcast %eq3A_816 : i32 to vector<16xi32>
      %eq3A_818 = arith.cmpi eq, %iota3A, %eq3A_817 : vector<16xi32>
      %broadcast_in_dim3A_819 = vector.broadcast %reduce_sum3A_815 : f32 to vector<16xf32>
      %select_n3A_820 = arith.select %eq3A_818, %broadcast_in_dim3A_819, %select_n3A_670 : vector<16xi1>, vector<16xf32>
      %slice3A_821 = vector.extract_strided_slice %and3A_148 {offsets = [9], sizes = [1], strides = [1]} : vector<16xi32> to vector<1xi32>
      %squeeze3A_822 = vector.extract %slice3A_821[0] : i32 from vector<1xi32>
      %add3A_823 = arith.constant 128 : i32
      %add3A_824 = arith.addi %add3A_823, %squeeze3A_822 : i32
      %broadcast_in_dim3A_825 = vector.broadcast %add3A_824 : i32 to vector<16xi32>
      %slice3A_826 = vector.extract_strided_slice %and3A_151 {offsets = [9], sizes = [1], strides = [1]} : vector<16xi32> to vector<1xi32>
      %squeeze3A_827 = vector.extract %slice3A_826[0] : i32 from vector<1xi32>
      %add3A_828 = arith.constant 128 : i32
      %add3A_829 = arith.addi %add3A_828, %squeeze3A_827 : i32
      %broadcast_in_dim3A_830 = vector.broadcast %add3A_829 : i32 to vector<16xi32>
      %gather3A_831 = tpu.vector_load_idx %arg11[%iota3A, %broadcast_in_dim3A_825] : memref<32x512xf32, #tpu.memory_space<vmem>>[vector<16xi32>, vector<16xi32>], vector<16xf32>,
      %add3A_832 = arith.constant 16 : i32
      %add3A_833 = vector.broadcast %add3A_832 : i32 to vector<16xi32>
      %add3A_834 = arith.addi %iota3A, %add3A_833 : vector<16xi32>
      %gather3A_835 = tpu.vector_load_idx %arg11[%add3A_834, %broadcast_in_dim3A_825] : memref<32x512xf32, #tpu.memory_space<vmem>>[vector<16xi32>, vector<16xi32>], vector<16xf32>,
      %gather3A_836 = tpu.vector_load_idx %arg12[%iota3A, %broadcast_in_dim3A_830] : memref<32x512xf32, #tpu.memory_space<vmem>>[vector<16xi32>, vector<16xi32>], vector<16xf32>,
      %add3A_837 = arith.constant 16 : i32
      %add3A_838 = vector.broadcast %add3A_837 : i32 to vector<16xi32>
      %add3A_839 = arith.addi %iota3A, %add3A_838 : vector<16xi32>
      %gather3A_840 = tpu.vector_load_idx %arg12[%add3A_839, %broadcast_in_dim3A_830] : memref<32x512xf32, #tpu.memory_space<vmem>>[vector<16xi32>, vector<16xi32>], vector<16xf32>,
      %mul3A_841 = arith.mulf %gather3A_831, %gather3A_836 : vector<16xf32>
      %mul3A_842 = arith.mulf %mul3A_841, %get3A_5 : vector<16xf32>
      %mul3A_843 = arith.mulf %gather3A_835, %gather3A_840 : vector<16xf32>
      %mul3A_844 = arith.mulf %mul3A_843, %get3A_7 : vector<16xf32>
      %add3A_845 = arith.addf %mul3A_842, %mul3A_844 : vector<16xf32>
      %reduce_sum3A_846 = arith.constant true
      %reduce_sum3A_847 = vector.broadcast %reduce_sum3A_846 : i1 to vector<16xi1>
      %reduce_sum3A_848 = tpu.scan <sum>, %add3A_845 masked %reduce_sum3A_847 : vector<16xf32>, vector<16xi1> -> vector<16xf32>
      %reduce_sum3A_849 = vector.extract %reduce_sum3A_848[15] : f32 from vector<16xf32>
      %eq3A_850 = arith.constant 9 : i32
      %eq3A_851 = vector.broadcast %eq3A_850 : i32 to vector<16xi32>
      %eq3A_852 = arith.cmpi eq, %iota3A, %eq3A_851 : vector<16xi32>
      %broadcast_in_dim3A_853 = vector.broadcast %reduce_sum3A_849 : f32 to vector<16xf32>
      %select_n3A_854 = arith.select %eq3A_852, %broadcast_in_dim3A_853, %select_n3A_820 : vector<16xi1>, vector<16xf32>
      %slice3A_855 = vector.extract_strided_slice %and3A_148 {offsets = [10], sizes = [1], strides = [1]} : vector<16xi32> to vector<1xi32>
      %squeeze3A_856 = vector.extract %slice3A_855[0] : i32 from vector<1xi32>
      %add3A_857 = arith.constant 256 : i32
      %add3A_858 = arith.addi %add3A_857, %squeeze3A_856 : i32
      %broadcast_in_dim3A_859 = vector.broadcast %add3A_858 : i32 to vector<16xi32>
      %slice3A_860 = vector.extract_strided_slice %and3A_151 {offsets = [10], sizes = [1], strides = [1]} : vector<16xi32> to vector<1xi32>
      %squeeze3A_861 = vector.extract %slice3A_860[0] : i32 from vector<1xi32>
      %add3A_862 = arith.constant 256 : i32
      %add3A_863 = arith.addi %add3A_862, %squeeze3A_861 : i32
      %broadcast_in_dim3A_864 = vector.broadcast %add3A_863 : i32 to vector<16xi32>
      %gather3A_865 = tpu.vector_load_idx %arg11[%iota3A, %broadcast_in_dim3A_859] : memref<32x512xf32, #tpu.memory_space<vmem>>[vector<16xi32>, vector<16xi32>], vector<16xf32>,
      %add3A_866 = arith.constant 16 : i32
      %add3A_867 = vector.broadcast %add3A_866 : i32 to vector<16xi32>
      %add3A_868 = arith.addi %iota3A, %add3A_867 : vector<16xi32>
      %gather3A_869 = tpu.vector_load_idx %arg11[%add3A_868, %broadcast_in_dim3A_859] : memref<32x512xf32, #tpu.memory_space<vmem>>[vector<16xi32>, vector<16xi32>], vector<16xf32>,
      %gather3A_870 = tpu.vector_load_idx %arg12[%iota3A, %broadcast_in_dim3A_864] : memref<32x512xf32, #tpu.memory_space<vmem>>[vector<16xi32>, vector<16xi32>], vector<16xf32>,
      %add3A_871 = arith.constant 16 : i32
      %add3A_872 = vector.broadcast %add3A_871 : i32 to vector<16xi32>
      %add3A_873 = arith.addi %iota3A, %add3A_872 : vector<16xi32>
      %gather3A_874 = tpu.vector_load_idx %arg12[%add3A_873, %broadcast_in_dim3A_864] : memref<32x512xf32, #tpu.memory_space<vmem>>[vector<16xi32>, vector<16xi32>], vector<16xf32>,
      %mul3A_875 = arith.mulf %gather3A_865, %gather3A_870 : vector<16xf32>
      %mul3A_876 = arith.mulf %mul3A_875, %get3A_5 : vector<16xf32>
      %mul3A_877 = arith.mulf %gather3A_869, %gather3A_874 : vector<16xf32>
      %mul3A_878 = arith.mulf %mul3A_877, %get3A_7 : vector<16xf32>
      %add3A_879 = arith.addf %mul3A_876, %mul3A_878 : vector<16xf32>
      %reduce_sum3A_880 = arith.constant true
      %reduce_sum3A_881 = vector.broadcast %reduce_sum3A_880 : i1 to vector<16xi1>
      %reduce_sum3A_882 = tpu.scan <sum>, %add3A_879 masked %reduce_sum3A_881 : vector<16xf32>, vector<16xi1> -> vector<16xf32>
      %reduce_sum3A_883 = vector.extract %reduce_sum3A_882[15] : f32 from vector<16xf32>
      %eq3A_884 = arith.constant 10 : i32
      %eq3A_885 = vector.broadcast %eq3A_884 : i32 to vector<16xi32>
      %eq3A_886 = arith.cmpi eq, %iota3A, %eq3A_885 : vector<16xi32>
      %broadcast_in_dim3A_887 = vector.broadcast %reduce_sum3A_883 : f32 to vector<16xf32>
      %select_n3A_888 = arith.select %eq3A_886, %broadcast_in_dim3A_887, %select_n3A_854 : vector<16xi1>, vector<16xf32>
      %slice3A_889 = vector.extract_strided_slice %and3A_148 {offsets = [11], sizes = [1], strides = [1]} : vector<16xi32> to vector<1xi32>
      %squeeze3A_890 = vector.extract %slice3A_889[0] : i32 from vector<1xi32>
      %add3A_891 = arith.constant 384 : i32
      %add3A_892 = arith.addi %add3A_891, %squeeze3A_890 : i32
      %broadcast_in_dim3A_893 = vector.broadcast %add3A_892 : i32 to vector<16xi32>
      %slice3A_894 = vector.extract_strided_slice %and3A_151 {offsets = [11], sizes = [1], strides = [1]} : vector<16xi32> to vector<1xi32>
      %squeeze3A_895 = vector.extract %slice3A_894[0] : i32 from vector<1xi32>
      %add3A_896 = arith.constant 384 : i32
      %add3A_897 = arith.addi %add3A_896, %squeeze3A_895 : i32
      %broadcast_in_dim3A_898 = vector.broadcast %add3A_897 : i32 to vector<16xi32>
      %gather3A_899 = tpu.vector_load_idx %arg11[%iota3A, %broadcast_in_dim3A_893] : memref<32x512xf32, #tpu.memory_space<vmem>>[vector<16xi32>, vector<16xi32>], vector<16xf32>,
      %add3A_900 = arith.constant 16 : i32
      %add3A_901 = vector.broadcast %add3A_900 : i32 to vector<16xi32>
      %add3A_902 = arith.addi %iota3A, %add3A_901 : vector<16xi32>
      %gather3A_903 = tpu.vector_load_idx %arg11[%add3A_902, %broadcast_in_dim3A_893] : memref<32x512xf32, #tpu.memory_space<vmem>>[vector<16xi32>, vector<16xi32>], vector<16xf32>,
      %gather3A_904 = tpu.vector_load_idx %arg12[%iota3A, %broadcast_in_dim3A_898] : memref<32x512xf32, #tpu.memory_space<vmem>>[vector<16xi32>, vector<16xi32>], vector<16xf32>,
      %add3A_905 = arith.constant 16 : i32
      %add3A_906 = vector.broadcast %add3A_905 : i32 to vector<16xi32>
      %add3A_907 = arith.addi %iota3A, %add3A_906 : vector<16xi32>
      %gather3A_908 = tpu.vector_load_idx %arg12[%add3A_907, %broadcast_in_dim3A_898] : memref<32x512xf32, #tpu.memory_space<vmem>>[vector<16xi32>, vector<16xi32>], vector<16xf32>,
      %mul3A_909 = arith.mulf %gather3A_899, %gather3A_904 : vector<16xf32>
      %mul3A_910 = arith.mulf %mul3A_909, %get3A_5 : vector<16xf32>
      %mul3A_911 = arith.mulf %gather3A_903, %gather3A_908 : vector<16xf32>
      %mul3A_912 = arith.mulf %mul3A_911, %get3A_7 : vector<16xf32>
      %add3A_913 = arith.addf %mul3A_910, %mul3A_912 : vector<16xf32>
      %reduce_sum3A_914 = arith.constant true
      %reduce_sum3A_915 = vector.broadcast %reduce_sum3A_914 : i1 to vector<16xi1>
      %reduce_sum3A_916 = tpu.scan <sum>, %add3A_913 masked %reduce_sum3A_915 : vector<16xf32>, vector<16xi1> -> vector<16xf32>
      %reduce_sum3A_917 = vector.extract %reduce_sum3A_916[15] : f32 from vector<16xf32>
      %eq3A_918 = arith.constant 11 : i32
      %eq3A_919 = vector.broadcast %eq3A_918 : i32 to vector<16xi32>
      %eq3A_920 = arith.cmpi eq, %iota3A, %eq3A_919 : vector<16xi32>
      %broadcast_in_dim3A_921 = vector.broadcast %reduce_sum3A_917 : f32 to vector<16xf32>
      %select_n3A_922 = arith.select %eq3A_920, %broadcast_in_dim3A_921, %select_n3A_888 : vector<16xi1>, vector<16xf32>
      %lt3A = arith.constant 31 : i32
      %lt3A_923 = arith.cmpi slt, %scan3A_128, %lt3A : i32
      %convert_element_type3A = arith.extui %lt3A_923 : i1 to i32
      %cond3A = arith.constant 0 : i32
      %cond3A_924 = arith.cmpi ne, %convert_element_type3A, %cond3A : i32
      scf.if %cond3A_924 {
        %slice3A_1082 = vector.extract_strided_slice %shift_left3A_165 {offsets = [0], sizes = [1], strides = [1]} : vector<16xi32> to vector<1xi32>
        %squeeze3A_1083 = vector.extract %slice3A_1082[0] : i32 from vector<1xi32>
        %multiple_of3A_1084 = tpu.assume_multiple %squeeze3A_1083, 128 : i32
        %slice3A_1085 = vector.extract_strided_slice %shift_left3A_171 {offsets = [0], sizes = [1], strides = [1]} : vector<16xi32> to vector<1xi32>
        %squeeze3A_1086 = vector.extract %slice3A_1085[0] : i32 from vector<1xi32>
        %multiple_of3A_1087 = tpu.assume_multiple %squeeze3A_1086, 128 : i32
        %dma_start3A_1088 = arith.constant 0 : i32
        %dma_start3A_1089 = arith.constant 0 : i32
        %dma_start3A_1090 = tpu.memref_slice %arg11[%dma_start3A_1088, %dma_start3A_1089] : memref<32x512xf32, #tpu.memory_space<vmem>> -> memref<32x128xf32, #tpu.memory_space<vmem>>
        %dma_start3A_1091 = arith.constant 0 : i32
        %dma_start3A_1092 = tpu.memref_slice %arg4[%dma_start3A_1091, %multiple_of3A_1084] : memref<32x100001xf32, #tpu.memory_space<hbm>> -> memref<32x128xf32, #tpu.memory_space<hbm>>
        %dma_start3A_1093 = arith.constant 0 : i32
        %dma_start3A_1094 = arith.constant 0 : i32
        %dma_start3A_1095 = tpu.memref_slice %arg11[%dma_start3A_1093, %dma_start3A_1094] : memref<32x512xf32, #tpu.memory_space<vmem>> -> memref<32x128xf32, #tpu.memory_space<vmem>>
        %dma_start3A_1096 = arith.constant 0 : i32
        %dma_start3A_1097 = tpu.memref_slice %arg4[%dma_start3A_1096, %multiple_of3A_1084] : memref<32x100001xf32, #tpu.memory_space<hbm>> -> memref<32x128xf32, #tpu.memory_space<hbm>>
        tpu.enqueue_dma source(%dma_start3A_1097 : memref<32x128xf32, #tpu.memory_space<hbm>>) target(%dma_start3A_1095 : memref<32x128xf32, #tpu.memory_space<vmem>>) target_semaphore(%arg18 : memref<!tpu.dma_semaphore, #tpu.memory_space<semaphore_mem>>)
        %dma_start3A_1098 = arith.constant 0 : i32
        %dma_start3A_1099 = arith.constant 0 : i32
        %dma_start3A_1100 = tpu.memref_slice %arg12[%dma_start3A_1098, %dma_start3A_1099] : memref<32x512xf32, #tpu.memory_space<vmem>> -> memref<32x128xf32, #tpu.memory_space<vmem>>
        %dma_start3A_1101 = arith.constant 0 : i32
        %dma_start3A_1102 = tpu.memref_slice %arg5[%dma_start3A_1101, %multiple_of3A_1087] : memref<32x1000000xf32, #tpu.memory_space<hbm>> -> memref<32x128xf32, #tpu.memory_space<hbm>>
        %dma_start3A_1103 = arith.constant 0 : i32
        %dma_start3A_1104 = arith.constant 0 : i32
        %dma_start3A_1105 = tpu.memref_slice %arg12[%dma_start3A_1103, %dma_start3A_1104] : memref<32x512xf32, #tpu.memory_space<vmem>> -> memref<32x128xf32, #tpu.memory_space<vmem>>
        %dma_start3A_1106 = arith.constant 0 : i32
        %dma_start3A_1107 = tpu.memref_slice %arg5[%dma_start3A_1106, %multiple_of3A_1087] : memref<32x1000000xf32, #tpu.memory_space<hbm>> -> memref<32x128xf32, #tpu.memory_space<hbm>>
        tpu.enqueue_dma source(%dma_start3A_1107 : memref<32x128xf32, #tpu.memory_space<hbm>>) target(%dma_start3A_1105 : memref<32x128xf32, #tpu.memory_space<vmem>>) target_semaphore(%arg19 : memref<!tpu.dma_semaphore, #tpu.memory_space<semaphore_mem>>)
        %slice3A_1108 = vector.extract_strided_slice %shift_left3A_165 {offsets = [1], sizes = [1], strides = [1]} : vector<16xi32> to vector<1xi32>
        %squeeze3A_1109 = vector.extract %slice3A_1108[0] : i32 from vector<1xi32>
        %multiple_of3A_1110 = tpu.assume_multiple %squeeze3A_1109, 128 : i32
        %slice3A_1111 = vector.extract_strided_slice %shift_left3A_171 {offsets = [1], sizes = [1], strides = [1]} : vector<16xi32> to vector<1xi32>
        %squeeze3A_1112 = vector.extract %slice3A_1111[0] : i32 from vector<1xi32>
        %multiple_of3A_1113 = tpu.assume_multiple %squeeze3A_1112, 128 : i32
        %dma_start3A_1114 = arith.constant 0 : i32
        %dma_start3A_1115 = arith.constant 128 : i32
        %dma_start3A_1116 = tpu.memref_slice %arg11[%dma_start3A_1114, %dma_start3A_1115] : memref<32x512xf32, #tpu.memory_space<vmem>> -> memref<32x128xf32, #tpu.memory_space<vmem>>
        %dma_start3A_1117 = arith.constant 0 : i32
        %dma_start3A_1118 = tpu.memref_slice %arg4[%dma_start3A_1117, %multiple_of3A_1110] : memref<32x100001xf32, #tpu.memory_space<hbm>> -> memref<32x128xf32, #tpu.memory_space<hbm>>
        %dma_start3A_1119 = arith.constant 0 : i32
        %dma_start3A_1120 = arith.constant 128 : i32
        %dma_start3A_1121 = tpu.memref_slice %arg11[%dma_start3A_1119, %dma_start3A_1120] : memref<32x512xf32, #tpu.memory_space<vmem>> -> memref<32x128xf32, #tpu.memory_space<vmem>>
        %dma_start3A_1122 = arith.constant 0 : i32
        %dma_start3A_1123 = tpu.memref_slice %arg4[%dma_start3A_1122, %multiple_of3A_1110] : memref<32x100001xf32, #tpu.memory_space<hbm>> -> memref<32x128xf32, #tpu.memory_space<hbm>>
        tpu.enqueue_dma source(%dma_start3A_1123 : memref<32x128xf32, #tpu.memory_space<hbm>>) target(%dma_start3A_1121 : memref<32x128xf32, #tpu.memory_space<vmem>>) target_semaphore(%arg18 : memref<!tpu.dma_semaphore, #tpu.memory_space<semaphore_mem>>)
        %dma_start3A_1124 = arith.constant 0 : i32
        %dma_start3A_1125 = arith.constant 128 : i32
        %dma_start3A_1126 = tpu.memref_slice %arg12[%dma_start3A_1124, %dma_start3A_1125] : memref<32x512xf32, #tpu.memory_space<vmem>> -> memref<32x128xf32, #tpu.memory_space<vmem>>
        %dma_start3A_1127 = arith.constant 0 : i32
        %dma_start3A_1128 = tpu.memref_slice %arg5[%dma_start3A_1127, %multiple_of3A_1113] : memref<32x1000000xf32, #tpu.memory_space<hbm>> -> memref<32x128xf32, #tpu.memory_space<hbm>>
        %dma_start3A_1129 = arith.constant 0 : i32
        %dma_start3A_1130 = arith.constant 128 : i32
        %dma_start3A_1131 = tpu.memref_slice %arg12[%dma_start3A_1129, %dma_start3A_1130] : memref<32x512xf32, #tpu.memory_space<vmem>> -> memref<32x128xf32, #tpu.memory_space<vmem>>
        %dma_start3A_1132 = arith.constant 0 : i32
        %dma_start3A_1133 = tpu.memref_slice %arg5[%dma_start3A_1132, %multiple_of3A_1113] : memref<32x1000000xf32, #tpu.memory_space<hbm>> -> memref<32x128xf32, #tpu.memory_space<hbm>>
        tpu.enqueue_dma source(%dma_start3A_1133 : memref<32x128xf32, #tpu.memory_space<hbm>>) target(%dma_start3A_1131 : memref<32x128xf32, #tpu.memory_space<vmem>>) target_semaphore(%arg19 : memref<!tpu.dma_semaphore, #tpu.memory_space<semaphore_mem>>)
        %slice3A_1134 = vector.extract_strided_slice %shift_left3A_165 {offsets = [2], sizes = [1], strides = [1]} : vector<16xi32> to vector<1xi32>
        %squeeze3A_1135 = vector.extract %slice3A_1134[0] : i32 from vector<1xi32>
        %multiple_of3A_1136 = tpu.assume_multiple %squeeze3A_1135, 128 : i32
        %slice3A_1137 = vector.extract_strided_slice %shift_left3A_171 {offsets = [2], sizes = [1], strides = [1]} : vector<16xi32> to vector<1xi32>
        %squeeze3A_1138 = vector.extract %slice3A_1137[0] : i32 from vector<1xi32>
        %multiple_of3A_1139 = tpu.assume_multiple %squeeze3A_1138, 128 : i32
        %dma_start3A_1140 = arith.constant 0 : i32
        %dma_start3A_1141 = arith.constant 256 : i32
        %dma_start3A_1142 = tpu.memref_slice %arg11[%dma_start3A_1140, %dma_start3A_1141] : memref<32x512xf32, #tpu.memory_space<vmem>> -> memref<32x128xf32, #tpu.memory_space<vmem>>
        %dma_start3A_1143 = arith.constant 0 : i32
        %dma_start3A_1144 = tpu.memref_slice %arg4[%dma_start3A_1143, %multiple_of3A_1136] : memref<32x100001xf32, #tpu.memory_space<hbm>> -> memref<32x128xf32, #tpu.memory_space<hbm>>
        %dma_start3A_1145 = arith.constant 0 : i32
        %dma_start3A_1146 = arith.constant 256 : i32
        %dma_start3A_1147 = tpu.memref_slice %arg11[%dma_start3A_1145, %dma_start3A_1146] : memref<32x512xf32, #tpu.memory_space<vmem>> -> memref<32x128xf32, #tpu.memory_space<vmem>>
        %dma_start3A_1148 = arith.constant 0 : i32
        %dma_start3A_1149 = tpu.memref_slice %arg4[%dma_start3A_1148, %multiple_of3A_1136] : memref<32x100001xf32, #tpu.memory_space<hbm>> -> memref<32x128xf32, #tpu.memory_space<hbm>>
        tpu.enqueue_dma source(%dma_start3A_1149 : memref<32x128xf32, #tpu.memory_space<hbm>>) target(%dma_start3A_1147 : memref<32x128xf32, #tpu.memory_space<vmem>>) target_semaphore(%arg18 : memref<!tpu.dma_semaphore, #tpu.memory_space<semaphore_mem>>)
        %dma_start3A_1150 = arith.constant 0 : i32
        %dma_start3A_1151 = arith.constant 256 : i32
        %dma_start3A_1152 = tpu.memref_slice %arg12[%dma_start3A_1150, %dma_start3A_1151] : memref<32x512xf32, #tpu.memory_space<vmem>> -> memref<32x128xf32, #tpu.memory_space<vmem>>
        %dma_start3A_1153 = arith.constant 0 : i32
        %dma_start3A_1154 = tpu.memref_slice %arg5[%dma_start3A_1153, %multiple_of3A_1139] : memref<32x1000000xf32, #tpu.memory_space<hbm>> -> memref<32x128xf32, #tpu.memory_space<hbm>>
        %dma_start3A_1155 = arith.constant 0 : i32
        %dma_start3A_1156 = arith.constant 256 : i32
        %dma_start3A_1157 = tpu.memref_slice %arg12[%dma_start3A_1155, %dma_start3A_1156] : memref<32x512xf32, #tpu.memory_space<vmem>> -> memref<32x128xf32, #tpu.memory_space<vmem>>
        %dma_start3A_1158 = arith.constant 0 : i32
        %dma_start3A_1159 = tpu.memref_slice %arg5[%dma_start3A_1158, %multiple_of3A_1139] : memref<32x1000000xf32, #tpu.memory_space<hbm>> -> memref<32x128xf32, #tpu.memory_space<hbm>>
        tpu.enqueue_dma source(%dma_start3A_1159 : memref<32x128xf32, #tpu.memory_space<hbm>>) target(%dma_start3A_1157 : memref<32x128xf32, #tpu.memory_space<vmem>>) target_semaphore(%arg19 : memref<!tpu.dma_semaphore, #tpu.memory_space<semaphore_mem>>)
        %slice3A_1160 = vector.extract_strided_slice %shift_left3A_165 {offsets = [3], sizes = [1], strides = [1]} : vector<16xi32> to vector<1xi32>
        %squeeze3A_1161 = vector.extract %slice3A_1160[0] : i32 from vector<1xi32>
        %multiple_of3A_1162 = tpu.assume_multiple %squeeze3A_1161, 128 : i32
        %slice3A_1163 = vector.extract_strided_slice %shift_left3A_171 {offsets = [3], sizes = [1], strides = [1]} : vector<16xi32> to vector<1xi32>
        %squeeze3A_1164 = vector.extract %slice3A_1163[0] : i32 from vector<1xi32>
        %multiple_of3A_1165 = tpu.assume_multiple %squeeze3A_1164, 128 : i32
        %dma_start3A_1166 = arith.constant 0 : i32
        %dma_start3A_1167 = arith.constant 384 : i32
        %dma_start3A_1168 = tpu.memref_slice %arg11[%dma_start3A_1166, %dma_start3A_1167] : memref<32x512xf32, #tpu.memory_space<vmem>> -> memref<32x128xf32, #tpu.memory_space<vmem>>
        %dma_start3A_1169 = arith.constant 0 : i32
        %dma_start3A_1170 = tpu.memref_slice %arg4[%dma_start3A_1169, %multiple_of3A_1162] : memref<32x100001xf32, #tpu.memory_space<hbm>> -> memref<32x128xf32, #tpu.memory_space<hbm>>
        %dma_start3A_1171 = arith.constant 0 : i32
        %dma_start3A_1172 = arith.constant 384 : i32
        %dma_start3A_1173 = tpu.memref_slice %arg11[%dma_start3A_1171, %dma_start3A_1172] : memref<32x512xf32, #tpu.memory_space<vmem>> -> memref<32x128xf32, #tpu.memory_space<vmem>>
        %dma_start3A_1174 = arith.constant 0 : i32
        %dma_start3A_1175 = tpu.memref_slice %arg4[%dma_start3A_1174, %multiple_of3A_1162] : memref<32x100001xf32, #tpu.memory_space<hbm>> -> memref<32x128xf32, #tpu.memory_space<hbm>>
        tpu.enqueue_dma source(%dma_start3A_1175 : memref<32x128xf32, #tpu.memory_space<hbm>>) target(%dma_start3A_1173 : memref<32x128xf32, #tpu.memory_space<vmem>>) target_semaphore(%arg18 : memref<!tpu.dma_semaphore, #tpu.memory_space<semaphore_mem>>)
        %dma_start3A_1176 = arith.constant 0 : i32
        %dma_start3A_1177 = arith.constant 384 : i32
        %dma_start3A_1178 = tpu.memref_slice %arg12[%dma_start3A_1176, %dma_start3A_1177] : memref<32x512xf32, #tpu.memory_space<vmem>> -> memref<32x128xf32, #tpu.memory_space<vmem>>
        %dma_start3A_1179 = arith.constant 0 : i32
        %dma_start3A_1180 = tpu.memref_slice %arg5[%dma_start3A_1179, %multiple_of3A_1165] : memref<32x1000000xf32, #tpu.memory_space<hbm>> -> memref<32x128xf32, #tpu.memory_space<hbm>>
        %dma_start3A_1181 = arith.constant 0 : i32
        %dma_start3A_1182 = arith.constant 384 : i32
        %dma_start3A_1183 = tpu.memref_slice %arg12[%dma_start3A_1181, %dma_start3A_1182] : memref<32x512xf32, #tpu.memory_space<vmem>> -> memref<32x128xf32, #tpu.memory_space<vmem>>
        %dma_start3A_1184 = arith.constant 0 : i32
        %dma_start3A_1185 = tpu.memref_slice %arg5[%dma_start3A_1184, %multiple_of3A_1165] : memref<32x1000000xf32, #tpu.memory_space<hbm>> -> memref<32x128xf32, #tpu.memory_space<hbm>>
        tpu.enqueue_dma source(%dma_start3A_1185 : memref<32x128xf32, #tpu.memory_space<hbm>>) target(%dma_start3A_1183 : memref<32x128xf32, #tpu.memory_space<vmem>>) target_semaphore(%arg19 : memref<!tpu.dma_semaphore, #tpu.memory_space<semaphore_mem>>)
      } else {
      }
      %dma_wait3A_925 = arith.constant 0 : i32
      %dma_wait3A_926 = arith.constant 0 : i32
      %dma_wait3A_927 = tpu.memref_slice %arg4[%dma_wait3A_925, %dma_wait3A_926] : memref<32x100001xf32, #tpu.memory_space<hbm>> -> memref<32x512xf32, #tpu.memory_space<hbm>>
      %dma_wait3A_928 = arith.constant 0 : i32
      %dma_wait3A_929 = arith.constant 0 : i32
      %dma_wait3A_930 = tpu.memref_slice %arg4[%dma_wait3A_928, %dma_wait3A_929] : memref<32x100001xf32, #tpu.memory_space<hbm>> -> memref<32x512xf32, #tpu.memory_space<hbm>>
      tpu.wait_dma2 semaphore(%arg20 : memref<!tpu.dma_semaphore, #tpu.memory_space<semaphore_mem>>) src(%dma_wait3A_930 : memref<32x512xf32, #tpu.memory_space<hbm>>) dst(%arg13 : memref<32x512xf32, #tpu.memory_space<vmem>>)
      %dma_wait3A_931 = arith.constant 0 : i32
      %dma_wait3A_932 = arith.constant 0 : i32
      %dma_wait3A_933 = tpu.memref_slice %arg5[%dma_wait3A_931, %dma_wait3A_932] : memref<32x1000000xf32, #tpu.memory_space<hbm>> -> memref<32x512xf32, #tpu.memory_space<hbm>>
      %dma_wait3A_934 = arith.constant 0 : i32
      %dma_wait3A_935 = arith.constant 0 : i32
      %dma_wait3A_936 = tpu.memref_slice %arg5[%dma_wait3A_934, %dma_wait3A_935] : memref<32x1000000xf32, #tpu.memory_space<hbm>> -> memref<32x512xf32, #tpu.memory_space<hbm>>
      tpu.wait_dma2 semaphore(%arg21 : memref<!tpu.dma_semaphore, #tpu.memory_space<semaphore_mem>>) src(%dma_wait3A_936 : memref<32x512xf32, #tpu.memory_space<hbm>>) dst(%arg14 : memref<32x512xf32, #tpu.memory_space<vmem>>)
      %slice3A_937 = vector.extract_strided_slice %and3A_148 {offsets = [12], sizes = [1], strides = [1]} : vector<16xi32> to vector<1xi32>
      %squeeze3A_938 = vector.extract %slice3A_937[0] : i32 from vector<1xi32>
      %add3A_939 = arith.constant 0 : i32
      %add3A_940 = arith.addi %add3A_939, %squeeze3A_938 : i32
      %broadcast_in_dim3A_941 = vector.broadcast %add3A_940 : i32 to vector<16xi32>
      %slice3A_942 = vector.extract_strided_slice %and3A_151 {offsets = [12], sizes = [1], strides = [1]} : vector<16xi32> to vector<1xi32>
      %squeeze3A_943 = vector.extract %slice3A_942[0] : i32 from vector<1xi32>
      %add3A_944 = arith.constant 0 : i32
      %add3A_945 = arith.addi %add3A_944, %squeeze3A_943 : i32
      %broadcast_in_dim3A_946 = vector.broadcast %add3A_945 : i32 to vector<16xi32>
      %gather3A_947 = tpu.vector_load_idx %arg13[%iota3A, %broadcast_in_dim3A_941] : memref<32x512xf32, #tpu.memory_space<vmem>>[vector<16xi32>, vector<16xi32>], vector<16xf32>,
      %add3A_948 = arith.constant 16 : i32
      %add3A_949 = vector.broadcast %add3A_948 : i32 to vector<16xi32>
      %add3A_950 = arith.addi %iota3A, %add3A_949 : vector<16xi32>
      %gather3A_951 = tpu.vector_load_idx %arg13[%add3A_950, %broadcast_in_dim3A_941] : memref<32x512xf32, #tpu.memory_space<vmem>>[vector<16xi32>, vector<16xi32>], vector<16xf32>,
      %gather3A_952 = tpu.vector_load_idx %arg14[%iota3A, %broadcast_in_dim3A_946] : memref<32x512xf32, #tpu.memory_space<vmem>>[vector<16xi32>, vector<16xi32>], vector<16xf32>,
      %add3A_953 = arith.constant 16 : i32
      %add3A_954 = vector.broadcast %add3A_953 : i32 to vector<16xi32>
      %add3A_955 = arith.addi %iota3A, %add3A_954 : vector<16xi32>
      %gather3A_956 = tpu.vector_load_idx %arg14[%add3A_955, %broadcast_in_dim3A_946] : memref<32x512xf32, #tpu.memory_space<vmem>>[vector<16xi32>, vector<16xi32>], vector<16xf32>,
      %mul3A_957 = arith.mulf %gather3A_947, %gather3A_952 : vector<16xf32>
      %mul3A_958 = arith.mulf %mul3A_957, %get3A_5 : vector<16xf32>
      %mul3A_959 = arith.mulf %gather3A_951, %gather3A_956 : vector<16xf32>
      %mul3A_960 = arith.mulf %mul3A_959, %get3A_7 : vector<16xf32>
      %add3A_961 = arith.addf %mul3A_958, %mul3A_960 : vector<16xf32>
      %reduce_sum3A_962 = arith.constant true
      %reduce_sum3A_963 = vector.broadcast %reduce_sum3A_962 : i1 to vector<16xi1>
      %reduce_sum3A_964 = tpu.scan <sum>, %add3A_961 masked %reduce_sum3A_963 : vector<16xf32>, vector<16xi1> -> vector<16xf32>
      %reduce_sum3A_965 = vector.extract %reduce_sum3A_964[15] : f32 from vector<16xf32>
      %eq3A_966 = arith.constant 12 : i32
      %eq3A_967 = vector.broadcast %eq3A_966 : i32 to vector<16xi32>
      %eq3A_968 = arith.cmpi eq, %iota3A, %eq3A_967 : vector<16xi32>
      %broadcast_in_dim3A_969 = vector.broadcast %reduce_sum3A_965 : f32 to vector<16xf32>
      %select_n3A_970 = arith.select %eq3A_968, %broadcast_in_dim3A_969, %select_n3A_922 : vector<16xi1>, vector<16xf32>
      %slice3A_971 = vector.extract_strided_slice %and3A_148 {offsets = [13], sizes = [1], strides = [1]} : vector<16xi32> to vector<1xi32>
      %squeeze3A_972 = vector.extract %slice3A_971[0] : i32 from vector<1xi32>
      %add3A_973 = arith.constant 128 : i32
      %add3A_974 = arith.addi %add3A_973, %squeeze3A_972 : i32
      %broadcast_in_dim3A_975 = vector.broadcast %add3A_974 : i32 to vector<16xi32>
      %slice3A_976 = vector.extract_strided_slice %and3A_151 {offsets = [13], sizes = [1], strides = [1]} : vector<16xi32> to vector<1xi32>
      %squeeze3A_977 = vector.extract %slice3A_976[0] : i32 from vector<1xi32>
      %add3A_978 = arith.constant 128 : i32
      %add3A_979 = arith.addi %add3A_978, %squeeze3A_977 : i32
      %broadcast_in_dim3A_980 = vector.broadcast %add3A_979 : i32 to vector<16xi32>
      %gather3A_981 = tpu.vector_load_idx %arg13[%iota3A, %broadcast_in_dim3A_975] : memref<32x512xf32, #tpu.memory_space<vmem>>[vector<16xi32>, vector<16xi32>], vector<16xf32>,
      %add3A_982 = arith.constant 16 : i32
      %add3A_983 = vector.broadcast %add3A_982 : i32 to vector<16xi32>
      %add3A_984 = arith.addi %iota3A, %add3A_983 : vector<16xi32>
      %gather3A_985 = tpu.vector_load_idx %arg13[%add3A_984, %broadcast_in_dim3A_975] : memref<32x512xf32, #tpu.memory_space<vmem>>[vector<16xi32>, vector<16xi32>], vector<16xf32>,
      %gather3A_986 = tpu.vector_load_idx %arg14[%iota3A, %broadcast_in_dim3A_980] : memref<32x512xf32, #tpu.memory_space<vmem>>[vector<16xi32>, vector<16xi32>], vector<16xf32>,
      %add3A_987 = arith.constant 16 : i32
      %add3A_988 = vector.broadcast %add3A_987 : i32 to vector<16xi32>
      %add3A_989 = arith.addi %iota3A, %add3A_988 : vector<16xi32>
      %gather3A_990 = tpu.vector_load_idx %arg14[%add3A_989, %broadcast_in_dim3A_980] : memref<32x512xf32, #tpu.memory_space<vmem>>[vector<16xi32>, vector<16xi32>], vector<16xf32>,
      %mul3A_991 = arith.mulf %gather3A_981, %gather3A_986 : vector<16xf32>
      %mul3A_992 = arith.mulf %mul3A_991, %get3A_5 : vector<16xf32>
      %mul3A_993 = arith.mulf %gather3A_985, %gather3A_990 : vector<16xf32>
      %mul3A_994 = arith.mulf %mul3A_993, %get3A_7 : vector<16xf32>
      %add3A_995 = arith.addf %mul3A_992, %mul3A_994 : vector<16xf32>
      %reduce_sum3A_996 = arith.constant true
      %reduce_sum3A_997 = vector.broadcast %reduce_sum3A_996 : i1 to vector<16xi1>
      %reduce_sum3A_998 = tpu.scan <sum>, %add3A_995 masked %reduce_sum3A_997 : vector<16xf32>, vector<16xi1> -> vector<16xf32>
      %reduce_sum3A_999 = vector.extract %reduce_sum3A_998[15] : f32 from vector<16xf32>
      %eq3A_1000 = arith.constant 13 : i32
      %eq3A_1001 = vector.broadcast %eq3A_1000 : i32 to vector<16xi32>
      %eq3A_1002 = arith.cmpi eq, %iota3A, %eq3A_1001 : vector<16xi32>
      %broadcast_in_dim3A_1003 = vector.broadcast %reduce_sum3A_999 : f32 to vector<16xf32>
      %select_n3A_1004 = arith.select %eq3A_1002, %broadcast_in_dim3A_1003, %select_n3A_970 : vector<16xi1>, vector<16xf32>
      %slice3A_1005 = vector.extract_strided_slice %and3A_148 {offsets = [14], sizes = [1], strides = [1]} : vector<16xi32> to vector<1xi32>
      %squeeze3A_1006 = vector.extract %slice3A_1005[0] : i32 from vector<1xi32>
      %add3A_1007 = arith.constant 256 : i32
      %add3A_1008 = arith.addi %add3A_1007, %squeeze3A_1006 : i32
      %broadcast_in_dim3A_1009 = vector.broadcast %add3A_1008 : i32 to vector<16xi32>
      %slice3A_1010 = vector.extract_strided_slice %and3A_151 {offsets = [14], sizes = [1], strides = [1]} : vector<16xi32> to vector<1xi32>
      %squeeze3A_1011 = vector.extract %slice3A_1010[0] : i32 from vector<1xi32>
      %add3A_1012 = arith.constant 256 : i32
      %add3A_1013 = arith.addi %add3A_1012, %squeeze3A_1011 : i32
      %broadcast_in_dim3A_1014 = vector.broadcast %add3A_1013 : i32 to vector<16xi32>
      %gather3A_1015 = tpu.vector_load_idx %arg13[%iota3A, %broadcast_in_dim3A_1009] : memref<32x512xf32, #tpu.memory_space<vmem>>[vector<16xi32>, vector<16xi32>], vector<16xf32>,
      %add3A_1016 = arith.constant 16 : i32
      %add3A_1017 = vector.broadcast %add3A_1016 : i32 to vector<16xi32>
      %add3A_1018 = arith.addi %iota3A, %add3A_1017 : vector<16xi32>
      %gather3A_1019 = tpu.vector_load_idx %arg13[%add3A_1018, %broadcast_in_dim3A_1009] : memref<32x512xf32, #tpu.memory_space<vmem>>[vector<16xi32>, vector<16xi32>], vector<16xf32>,
      %gather3A_1020 = tpu.vector_load_idx %arg14[%iota3A, %broadcast_in_dim3A_1014] : memref<32x512xf32, #tpu.memory_space<vmem>>[vector<16xi32>, vector<16xi32>], vector<16xf32>,
      %add3A_1021 = arith.constant 16 : i32
      %add3A_1022 = vector.broadcast %add3A_1021 : i32 to vector<16xi32>
      %add3A_1023 = arith.addi %iota3A, %add3A_1022 : vector<16xi32>
      %gather3A_1024 = tpu.vector_load_idx %arg14[%add3A_1023, %broadcast_in_dim3A_1014] : memref<32x512xf32, #tpu.memory_space<vmem>>[vector<16xi32>, vector<16xi32>], vector<16xf32>,
      %mul3A_1025 = arith.mulf %gather3A_1015, %gather3A_1020 : vector<16xf32>
      %mul3A_1026 = arith.mulf %mul3A_1025, %get3A_5 : vector<16xf32>
      %mul3A_1027 = arith.mulf %gather3A_1019, %gather3A_1024 : vector<16xf32>
      %mul3A_1028 = arith.mulf %mul3A_1027, %get3A_7 : vector<16xf32>
      %add3A_1029 = arith.addf %mul3A_1026, %mul3A_1028 : vector<16xf32>
      %reduce_sum3A_1030 = arith.constant true
      %reduce_sum3A_1031 = vector.broadcast %reduce_sum3A_1030 : i1 to vector<16xi1>
      %reduce_sum3A_1032 = tpu.scan <sum>, %add3A_1029 masked %reduce_sum3A_1031 : vector<16xf32>, vector<16xi1> -> vector<16xf32>
      %reduce_sum3A_1033 = vector.extract %reduce_sum3A_1032[15] : f32 from vector<16xf32>
      %eq3A_1034 = arith.constant 14 : i32
      %eq3A_1035 = vector.broadcast %eq3A_1034 : i32 to vector<16xi32>
      %eq3A_1036 = arith.cmpi eq, %iota3A, %eq3A_1035 : vector<16xi32>
      %broadcast_in_dim3A_1037 = vector.broadcast %reduce_sum3A_1033 : f32 to vector<16xf32>
      %select_n3A_1038 = arith.select %eq3A_1036, %broadcast_in_dim3A_1037, %select_n3A_1004 : vector<16xi1>, vector<16xf32>
      %slice3A_1039 = vector.extract_strided_slice %and3A_148 {offsets = [15], sizes = [1], strides = [1]} : vector<16xi32> to vector<1xi32>
      %squeeze3A_1040 = vector.extract %slice3A_1039[0] : i32 from vector<1xi32>
      %add3A_1041 = arith.constant 384 : i32
      %add3A_1042 = arith.addi %add3A_1041, %squeeze3A_1040 : i32
      %broadcast_in_dim3A_1043 = vector.broadcast %add3A_1042 : i32 to vector<16xi32>
      %slice3A_1044 = vector.extract_strided_slice %and3A_151 {offsets = [15], sizes = [1], strides = [1]} : vector<16xi32> to vector<1xi32>
      %squeeze3A_1045 = vector.extract %slice3A_1044[0] : i32 from vector<1xi32>
      %add3A_1046 = arith.constant 384 : i32
      %add3A_1047 = arith.addi %add3A_1046, %squeeze3A_1045 : i32
      %broadcast_in_dim3A_1048 = vector.broadcast %add3A_1047 : i32 to vector<16xi32>
      %gather3A_1049 = tpu.vector_load_idx %arg13[%iota3A, %broadcast_in_dim3A_1043] : memref<32x512xf32, #tpu.memory_space<vmem>>[vector<16xi32>, vector<16xi32>], vector<16xf32>,
      %add3A_1050 = arith.constant 16 : i32
      %add3A_1051 = vector.broadcast %add3A_1050 : i32 to vector<16xi32>
      %add3A_1052 = arith.addi %iota3A, %add3A_1051 : vector<16xi32>
      %gather3A_1053 = tpu.vector_load_idx %arg13[%add3A_1052, %broadcast_in_dim3A_1043] : memref<32x512xf32, #tpu.memory_space<vmem>>[vector<16xi32>, vector<16xi32>], vector<16xf32>,
      %gather3A_1054 = tpu.vector_load_idx %arg14[%iota3A, %broadcast_in_dim3A_1048] : memref<32x512xf32, #tpu.memory_space<vmem>>[vector<16xi32>, vector<16xi32>], vector<16xf32>,
      %add3A_1055 = arith.constant 16 : i32
      %add3A_1056 = vector.broadcast %add3A_1055 : i32 to vector<16xi32>
      %add3A_1057 = arith.addi %iota3A, %add3A_1056 : vector<16xi32>
      %gather3A_1058 = tpu.vector_load_idx %arg14[%add3A_1057, %broadcast_in_dim3A_1048] : memref<32x512xf32, #tpu.memory_space<vmem>>[vector<16xi32>, vector<16xi32>], vector<16xf32>,
      %mul3A_1059 = arith.mulf %gather3A_1049, %gather3A_1054 : vector<16xf32>
      %mul3A_1060 = arith.mulf %mul3A_1059, %get3A_5 : vector<16xf32>
      %mul3A_1061 = arith.mulf %gather3A_1053, %gather3A_1058 : vector<16xf32>
      %mul3A_1062 = arith.mulf %mul3A_1061, %get3A_7 : vector<16xf32>
      %add3A_1063 = arith.addf %mul3A_1060, %mul3A_1062 : vector<16xf32>
      %reduce_sum3A_1064 = arith.constant true
      %reduce_sum3A_1065 = vector.broadcast %reduce_sum3A_1064 : i1 to vector<16xi1>
      %reduce_sum3A_1066 = tpu.scan <sum>, %add3A_1063 masked %reduce_sum3A_1065 : vector<16xf32>, vector<16xi1> -> vector<16xf32>
      %reduce_sum3A_1067 = vector.extract %reduce_sum3A_1066[15] : f32 from vector<16xf32>
      %eq3A_1068 = arith.constant 15 : i32
      %eq3A_1069 = vector.broadcast %eq3A_1068 : i32 to vector<16xi32>
      %eq3A_1070 = arith.cmpi eq, %iota3A, %eq3A_1069 : vector<16xi32>
      %broadcast_in_dim3A_1071 = vector.broadcast %reduce_sum3A_1067 : f32 to vector<16xf32>
      %select_n3A_1072 = arith.select %eq3A_1070, %broadcast_in_dim3A_1071, %select_n3A_1038 : vector<16xi1>, vector<16xf32>
      %add3A_1073 = arith.addf %select_n3A_1072, %get3A_3 : vector<16xf32>
      %neg3A = arith.constant 0.000000e+00 : f32
      %neg3A_1074 = vector.broadcast %neg3A : f32 to vector<16xf32>
      %neg3A_1075 = arith.subf %neg3A_1074, %add3A_1073 : vector<16xf32>
      %exp3A = math.exp %neg3A_1075 : vector<16xf32>
      %add3A_1076 = arith.constant 1.000000e+00 : f32
      %add3A_1077 = vector.broadcast %add3A_1076 : f32 to vector<16xf32>
      %add3A_1078 = arith.addf %add3A_1077, %exp3A : vector<16xf32>
      %div3A = arith.constant 1.000000e+00 : f32
      %div3A_1079 = vector.broadcast %div3A : f32 to vector<16xf32>
      %div3A_1080 = arith.divf %div3A_1079, %add3A_1078 : vector<16xf32>
      %swap3A = arith.index_cast %mul3A_130 : i32 to index
      %swap3A_1081 = tpu.vector_load %arg17[%swap3A] {strides = array<i32>} : memref<512xf32, #tpu.memory_space<vmem>>, vector<16xf32>,
      tpu.vector_store %arg17[%swap3A], %div3A_1080 {strides = array<i32>} : memref<512xf32, #tpu.memory_space<vmem>>, vector<16xf32>,
    }
    %scan3A_127 = arith.constant 32 : i32
    "tpu.region"() ({
      %run_scoped3A = tpu.sem_alloc : memref<!tpu.dma_semaphore, #tpu.memory_space<semaphore_mem>>
      %dma_start3A_128 = tpu.memref_slice %arg8[%mul3A_2] : memref<16384xf32, #tpu.memory_space<hbm>> -> memref<512xf32, #tpu.memory_space<hbm>>
      %dma_start3A_129 = tpu.memref_slice %arg8[%mul3A_2] : memref<16384xf32, #tpu.memory_space<hbm>> -> memref<512xf32, #tpu.memory_space<hbm>>
      tpu.enqueue_dma source(%arg17 : memref<512xf32, #tpu.memory_space<vmem>>) target(%dma_start3A_129 : memref<512xf32, #tpu.memory_space<hbm>>) target_semaphore(%run_scoped3A : memref<!tpu.dma_semaphore, #tpu.memory_space<semaphore_mem>>)
      %dma_wait3A = tpu.memref_slice %arg8[%mul3A_2] : memref<16384xf32, #tpu.memory_space<hbm>> -> memref<512xf32, #tpu.memory_space<hbm>>
      %dma_wait3A_130 = tpu.memref_slice %arg8[%mul3A_2] : memref<16384xf32, #tpu.memory_space<hbm>> -> memref<512xf32, #tpu.memory_space<hbm>>
      tpu.wait_dma2 semaphore(%run_scoped3A : memref<!tpu.dma_semaphore, #tpu.memory_space<semaphore_mem>>) src(%arg17 : memref<512xf32, #tpu.memory_space<vmem>>) dst(%dma_wait3A_130 : memref<512xf32, #tpu.memory_space<hbm>>)
      tpu.yield
    }) : () -> ()
    return
  }
}

</mosaic_0001>

<sc_bundles>
// kernel: _run.3.cloned.1.call-start
scs
__scs_entry_jumppad:
0x0: {  	(pc) =	sbr.rel $0x88, $3  }
0x1: {  	(tag) =	ssettag $0x0;
	lr =	simm.s32 $0x1  }
0x2: {  	[smem:$0x3F9B] =	sst lr;
	_ =	strace $0xD0000000  }
0x3: {  	_ = 	snop  }
0x4: {  	_ = 	snop  }
0x5: {  	_ = 	snop  }
0x6: {  	_ = 	snop  }
0x7: {  	_ = 	snop  }
__scs_overlays_trampoline_lowered:
0x8: {  	[smem:$0x3FAA] =	sst s0  }
0x9: {  	[smem:$0x3FAB] =	sst s1  }
0xa: {  	[smem:$0x3FAC] =	sst s2  }
0xb: {  	[smem:$0x3FAD] =	sst s3  }
0xc: {  	[smem:$0x3FAE] =	sst s4  }
0xd: {  	[smem:$0x3FAF] =	sst s5  }
0xe: {  	[smem:$0x3FB0] =	sst s6  }
0xf: {  	[smem:$0x3FB1] =	sst s7  }
0x10: {  	[smem:$0x3FB2] =	sst s8  }
0x11: {  	[smem:$0x3FB3] =	sst s9;
	s0 =	simm.s32 @!p0 $0x0  }
0x12: {  	s1 =	sld [smem:$0x3F99];
	s0 =	simm.s32 @p0 $0x1  }
0x13: {  	[smem:$0x3FB4] =	sst s0;
	s0 =	simm.s32 @!p1 $0x0  }
0x14: {  	s2 =	sld [smem:$0x3F98];
	s0 =	simm.s32 @p1 $0x1  }
0x15: {  	[smem:$0x3FB5] =	sst s0;
	s0 =	simm.s32 @!p2 $0x0  }
0x16: {  	s3 =	sld [smem:$0x3FDB];
	s0 =	simm.s32 @p2 $0x1  }
0x17: {  	s4 =	simm.s32 $0x1BF5;
	[smem:$0x3FB7] =	sst s0  }
0x18: {  	s0 =	sld [smem:$0x3F9A];
	_ =	swait.ge [sflag:s4], $0x0  }
0x19: {  	s7 =	sld [smem:$0x3F9B]  }
0x1a: {  	s8 =	sadd.s32 $0xFFFFE003, lr  }
0x1b: {  	s9 =	sadd.s32 $0xFFFFFEF7, lr;
	s5 =	simm.s32 $0xFFFFFFFF;
	p2 =	slt.u32 s8, $0xFFFFF086  }
0x1c: {  	p1 =	slt.u32 s9, $0xF7A;
	s5 =	simm.s32 @!p2 $0x0  }
0x1d: {  	s5 =	simm.s32 @p1 $0x1;
	p0 =	seq.s32 s7, s2  }
0x1e: {  	s7 =	smul.u32 @!p0 $0xF7A, s2;
	p2 =	seq.s32 @!p0 s5, $0x0  }
0x1f: {  	s9 =	smul.u32 $0xF7A, s1;
	s8 =	simm.s32 @!p0 $0x1BF5;
	p2 =	por !p2, p0  }
0x20: {  	[sflag:s8] =	ssyncset.s32 @!p0 $0xFFFFF086;
	s6 =	sadd.s32 @!p0 s3, s7;
	s7 =	simm.s32 @!p0 $0x108  }
0x21: {  	s3 =	sadd.s32 s3, s9;
	s6 =	sadd.s32 @!p0 $0x88, s6;
	s7 =	simm.s32 @p2 $0x1082  }
0x22: {  	[simem:s7], [sflag:s8] =	dma.local @!p0 [hbm:s6], $0xF7A  }
0x23: {  	s9 =	sor.u32 $0xD0000000, s2;
	s6 =	simm.s32 $0x108;
	_ =	swait.ge @!p0 [sflag:s8], $0x0  }
0x24: {  	s3 =	sadd.s32 $0x88, s3;
	s6 =	simm.s32 @!p1 $0x1082;
	[sflag:s4] =	ssyncset.s32 $0xFFFFF086  }
0x25: {  	[simem:s6], [sflag:s4] =	dma.local [hbm:s3], $0xF7A  }
0x26: {  	[smem:$0x3F9B] =	sst s1;
	(tag) =	ssettag s2;
	_ =	strace s9  }
0x27: {  	s1 =	sld [smem:$0x3FAB]  }
0x28: {  	s2 =	sld [smem:$0x3FAC]  }
0x29: {  	s4 =	sld [smem:$0x3FAE]  }
0x2a: {  	p0 =	seq.s32 s5, $0x0;
	s5 =	sld [smem:$0x3FAF]  }
0x2b: {  	s6 =	sld [smem:$0x3FB0]  }
0x2c: {  	s7 =	sld [smem:$0x3FB1]  }
0x2d: {  	s3 =	simm.s32 $0x108;
	s8 =	sld [smem:$0x3FB2]  }
0x2e: {  	s3 =	simm.s32 @!p0 $0x1082;
	s9 =	sld [smem:$0x3FB3]  }
0x2f: {  	lr =	sadd.s32 s0, s3;
	s0 =	sld [smem:$0x3FAA]  }
0x30: {  	s3 =	sld [smem:$0x3FAD]  }
0x31: {  	[smem:$0x3FB6] =	sst s10  }
0x32: {  	s10 =	sld [smem:$0x3FB4];
	_ =	sdelay $0x3  }
0x33: {  	p0 =	seq.s32 s10, $0x1;
	s10 =	sld [smem:$0x3FB6];
	_ =	sdelay $0x3  }
0x34: {  	[smem:$0x3FB6] =	sst s10  }
0x35: {  	s10 =	sld [smem:$0x3FB5];
	_ =	sdelay $0x3  }
0x36: {  	p1 =	seq.s32 s10, $0x1;
	s10 =	sld [smem:$0x3FB6];
	_ =	sdelay $0x3  }
0x37: {  	[smem:$0x3FB6] =	sst s10  }
0x38: {  	s10 =	sld [smem:$0x3FB7]  }
0x39: {  	_ = 	snop;
	(pc) =	sbr.ind lr, $3  }
0x3a: {  	_ = 	snop  }
0x3b: {  	_ = 	snop  }
0x3c: {  	p2 =	seq.s32 s10, $0x1;
	s10 =	sld [smem:$0x3FB6]  }
0x3d: {  	_ =	shalt  }
0x3e: {  	_ =	shalt  }
0x3f: {  	_ =	shalt  }
0x40: {  	_ =	shalt  }
0x41: {  	_ =	shalt  }
0x42: {  	_ =	shalt  }
0x43: {  	_ =	shalt  }
0x44: {  	_ =	shalt  }
0x45: {  	_ =	shalt  }
0x46: {  	_ =	shalt  }
0x47: {  	_ =	shalt  }
0x48: {  	_ =	shalt  }
0x49: {  	_ =	shalt  }
0x4a: {  	_ =	shalt  }
0x4b: {  	_ =	shalt  }
0x4c: {  	_ =	shalt  }
0x4d: {  	_ =	shalt  }
0x4e: {  	_ =	shalt  }
0x4f: {  	_ =	shalt  }
0x50: {  	_ =	shalt  }
0x51: {  	_ =	shalt  }
0x52: {  	_ =	shalt  }
0x53: {  	_ =	shalt  }
0x54: {  	_ =	shalt  }
0x55: {  	_ =	shalt  }
0x56: {  	_ =	shalt  }
0x57: {  	_ =	shalt  }
0x58: {  	_ =	shalt  }
0x59: {  	_ =	shalt  }
0x5a: {  	_ =	shalt  }
0x5b: {  	_ =	shalt  }
0x5c: {  	_ =	shalt  }
0x5d: {  	_ =	shalt  }
0x5e: {  	_ =	shalt  }
0x5f: {  	_ =	shalt  }
0x60: {  	_ =	shalt  }
0x61: {  	_ =	shalt  }
0x62: {  	_ =	shalt  }
0x63: {  	_ =	shalt  }
0x64: {  	_ =	shalt  }
0x65: {  	_ =	shalt  }
0x66: {  	_ =	shalt  }
0x67: {  	_ =	shalt  }
0x68: {  	_ =	shalt  }
0x69: {  	_ =	shalt  }
0x6a: {  	_ =	shalt  }
0x6b: {  	_ =	shalt  }
0x6c: {  	_ =	shalt  }
0x6d: {  	_ =	shalt  }
0x6e: {  	_ =	shalt  }
0x6f: {  	_ =	shalt  }
0x70: {  	_ =	shalt  }
0x71: {  	_ =	shalt  }
0x72: {  	_ =	shalt  }
0x73: {  	_ =	shalt  }
0x74: {  	_ =	shalt  }
0x75: {  	_ =	shalt  }
0x76: {  	_ =	shalt  }
0x77: {  	_ =	shalt  }
0x78: {  	_ =	shalt  }
0x79: {  	_ =	shalt  }
0x7a: {  	_ =	shalt  }
0x7b: {  	_ =	shalt  }
0x7c: {  	_ =	shalt  }
0x7d: {  	_ =	shalt  }
0x7e: {  	_ =	shalt  }
0x7f: {  	_ =	shalt  }
0x80: {  	_ =	shalt  }
0x81: {  	_ =	shalt  }
0x82: {  	_ =	shalt  }
0x83: {  	_ =	shalt  }
0x84: {  	_ =	shalt  }
0x85: {  	_ =	shalt  }
0x86: {  	_ =	shalt  }
0x87: {  	_ =	shalt  }
.Lfunc_end0:
.L_simem_size_0:
called_computation_lowered:
.L_overlay_start_0:
0x88: {  	s2 =	sld [smem:$0x3FD9]  }
0x89: {  	s3 =	sld [smem:$0x3FFE];
	_ =	sdelay $0x1  }
0x8a: {  	s1 =	srdreg.scid  }
0x8b: {  	s0 =	sand.u32 $0x1, s1  }
0x8c: {  	s18 =	sshll.u32 s0, $0xA;
	s2 =	sadd.s32 s3, s2  }
0x8d: {  	s2 =	sadd.s32 s2, s18  }
0x8e: {  	[smem:$0x3FC2] =	sst s2  }
0x8f: {  	_ = 	snop  }
0x90: {  	s2 =	sld [smem:$0x3FC9]  }
0x91: {  	s19 =	sld [smem:$0x3FC8]  }
0x92: {  	s4 =	sld [smem:$0x3FC7]  }
0x93: {  	s5 =	sld [smem:$0x3FC6]  }
0x94: {  	s6 =	sld [smem:$0x3FC5]  }
0x95: {  	s7 =	sld [smem:$0x3FC4]  }
0x96: {  	s8 =	sld [smem:$0x3FD0];
	(tm) =	ssettm $0x1  }
0x97: {  	s9 =	sld [smem:$0x3FFB];
	_ =	sdelay $0x3  }
0x98: {  	_ =	strace s9  }
0x99: {  	s9 =	sld [smem:$0x3FFC];
	_ =	sdelay $0x3  }
0x9a: {  	_ =	strace s9  }
0x9b: {  	s9 =	sld [smem:$0x3FFD];
	_ =	sdelay $0x3  }
0x9c: {  	_ =	strace s9  }
0x9d: {  	_ =	strace $0x8FFFFFFF  }
0x9e: {  	s20 =	sld [smem:$0x3FDB];
	_ =	sdelay $0x1  }
0x9f: {  	s10 =	simm.s32 $_scs_section_size  }
0xa0: {  	s11 =	simm.s32 $_size__tile_overlayer_lowered;
	s12 =	simm.s32 $_tile_overlayer_lowered  }
0xa1: {  	s23 =	simm.s32 $0x1BFF;
	s22 =	sshll.u32 s12, $0x1;
	s9 =	sadd.s32 s10, s20  }
0xa2: {  	s13 =	simm.s32 $0x0;
	s21 =	sshll.u32 s11, $0x1;
	s11 =	sadd.s32 s22, s9  }
0xa3: {  	[timem:s13], [sflag:s23] =	dma.local [hbm:s11], s21  }
0xa4: {  	_ =	swait.ge [sflag:s23], s21  }
0xa5: {  	s10 =	ssub.s32 $0x0, s21;
	[sflag:s23] =	ssyncset.done $0x0  }
0xa6: {  	[sflag:s23] =	ssyncadd.s32 s10;
	_ =	sdelay $0x1  }
0xa7: {  	s24 =	simm.s32 $0x1B8B  }
0xa8: {  	_ =	swait.ge [sflag:s24], $0x1  }
0xa9: {  	[sflag:s24] =	ssyncset.done $0x0  }
0xaa: {  	s25 =	simm.s32 $0x1B8E;
	[sflag:s24] =	ssyncadd.s32 $0xFFFFFFFF  }
0xab: {  	s26 =	simm.s32 $execute0_lowered;
	[smem:$0x3FD2] =	sst s25  }
0xac: {  	s10 =	sshll.u32 s26, $0x1;
	_ =	strace $0x80000046;
	[dreg:$0x1] =	wrdreg $0xFFFFFFFF  }
0xad: {  	s28 =	simm.s32 $_size_execute0_lowered;
	s9 =	sadd.s32 s9, s10;
	[dreg:$0x0] =	wrdreg $0x0  }
0xae: {  	s10 =	sshll.u32 s28, $0x1;
	[dreg:$0x2] =	wrdreg s9  }
0xaf: {  	[dreg:$0x3] =	wrdreg s10  }
0xb0: {  	[dreg:$0x4] =	wrdreg $0xC0  }
0xb1: {  	_ =	task [dreg:s13], $0x5FFFF  }
0xb2: {  	[dreg:$0x1] =	wrdreg $0xFFFFFFFF  }
0xb3: {  	[dreg:$0x0] =	wrdreg $0x60  }
0xb4: {  	[dreg:$0x2] =	wrdreg s2  }
0xb5: {  	[dreg:$0x3] =	wrdreg s19  }
0xb6: {  	[dreg:$0x4] =	wrdreg s4  }
0xb7: {  	[dreg:$0x5] =	wrdreg s5  }
0xb8: {  	[dreg:$0x6] =	wrdreg s6  }
0xb9: {  	[dreg:$0x7] =	wrdreg s7  }
0xba: {  	[dreg:$0x8] =	wrdreg s8  }
0xbb: {  	[dreg:$0x9] =	wrdreg $0x9  }
0xbc: {  	_ =	task.clear_ibuf [dreg:s13], $0xAFFFF;
	_ =	strace $0x90000046  }
0xbd: {  	s29 =	simm.s32 $0x9;
	_ =	strace $0x80000048  }
0xbe: {  	_ =	swait.ge [sflag:s29], $0x1  }
0xbf: {  	[sflag:s29] =	ssyncadd.s32 $0xFFFFFFFF  }
0xc0: {  	_ =	strace $0x90000048  }
0xc1: {  	_ =	sfence  }
0xc2: {  	s30 =	sld [smem:$0x0];
	_ =	sdelay $0x2  }
0xc3: {  	s31 =	sshll.u32 s1, $0xD;
	s1 =	sshrl.u32 s1, $0x2  }
0xc4: {  	s3 =	sand.u32 $0x4000, s31;
	s1 =	sadd.s32 s1, s30  }
0xc5: {  	s0 =	sor.u32 s3, s0;
	s1 =	sshll.u32 s1, $0x11  }
0xc6: {  	s0 =	sor.u32 s1, s0  }
0xc7: {  	s0 =	sadd.s32 $0x8F2B, s0  }
0xc8: {  	[sflag:s0] =	ssyncadd.remote.s32 $0x1  }
0xc9: {  	_ =	sfence.sel $0xFFFF  }
0xca: {  	[dreg:$0x0] =	wrdreg $0xFFFFFFFF;
	(pc) =	sbr.abs _section_cstart, $3  }
0xcb: {  	[dreg:$0x1] =	wrdreg $0xFFFFFFFF  }
0xcc: {  	_ =	task.clear_ibuf [dreg:s13], $0x2FFFF;
	_ =	strace $0x9FFFFFFF  }
0xcd: {  	(tm) =	ssettm $0x7FFFFFFF  }
tec
execute0_lowered:
.L_overlay_start_1:
0x0: {  	(tag) =	ssettag $0x1  }
0x1: {  	v0 =	vimm.s32 $0x1380  }
0x2: {  	vm14 =	vcmask $0x300;
	vm13 =	vcmask $0x704;
	v1 =	vimm.s32 $0x3380  }
0x3: {  	vm12 =	vcmask $0xB08;
	vm11 =	vcmask $0xF0C;
	vm10 =	vcmask $0x1310  }
0x4: {  	vm9 =	vcmask $0x1714;
	vm8 =	vcmask $0x1B18;
	vm7 =	vcmask $0x1F1C  }
0x5: {  	vm6 =	vcmask $0x2320;
	vm5 =	vcmask $0x2724;
	vm4 =	vcmask $0x2B28  }
0x6: {  	vm3 =	vcmask $0x2F2C;
	vm0 =	vcmask $0x3330;
	vm2 =	vcmask $0x3734  }
0x7: {  	vm1 =	vcmask $0x3B38;
	v2 =	vimm.s32 $0x1780;
	v3 =	vimm.s32 $0x3780  }
0x8: {  	v4 =	vimm.s32 $0x1B80;
	v5 =	vimm.s32 $0x3B80;
	v6 =	vimm.s32 $0x1F80  }
0x9: {  	v7 =	vimm.s32 $0x3F80;
	v0 =	vsel vm14, $0x0, v0;
	v1 =	vsel vm14, $0x2000, v1  }
0xa: {  	v2 =	vsel vm14, $0x400, v2;
	v3 =	vsel vm14, $0x2400, v3;
	v4 =	vsel vm14, $0x800, v4  }
0xb: {  	v5 =	vsel vm14, $0x2800, v5;
	v6 =	vsel vm14, $0xC00, v6;
	v7 =	vsel vm14, $0x2C00, v7  }
0xc: {  	vm14 =	vmmov $0x7fff;
	v0 =	vsel vm13, $0x80, v0;
	v1 =	vsel vm13, $0x2080, v1  }
0xd: {  	v2 =	vsel vm13, $0x480, v2;
	v3 =	vsel vm13, $0x2480, v3;
	v4 =	vsel vm13, $0x880, v4  }
0xe: {  	v5 =	vsel vm13, $0x2880, v5;
	v6 =	vsel vm13, $0xC80, v6;
	v7 =	vsel vm13, $0x2C80, v7  }
0xf: {  	vm13 =	vmmov $0x3fff;
	v0 =	vsel vm12, $0x100, v0;
	v1 =	vsel vm12, $0x2100, v1  }
0x10: {  	v2 =	vsel vm12, $0x500, v2;
	v3 =	vsel vm12, $0x2500, v3;
	v4 =	vsel vm12, $0x900, v4  }
0x11: {  	v5 =	vsel vm12, $0x2900, v5;
	v6 =	vsel vm12, $0xD00, v6;
	v7 =	vsel vm12, $0x2D00, v7  }
0x12: {  	vm12 =	vmmov $0x1fff;
	v0 =	vsel vm11, $0x180, v0;
	v1 =	vsel vm11, $0x2180, v1  }
0x13: {  	v2 =	vsel vm11, $0x580, v2;
	v3 =	vsel vm11, $0x2580, v3;
	v4 =	vsel vm11, $0x980, v4  }
0x14: {  	v5 =	vsel vm11, $0x2980, v5;
	v6 =	vsel vm11, $0xD80, v6;
	v7 =	vsel vm11, $0x2D80, v7  }
0x15: {  	vm11 =	vmmov $0x7ff;
	v0 =	vsel vm10, $0x200, v0;
	v1 =	vsel vm10, $0x2200, v1  }
0x16: {  	v2 =	vsel vm10, $0x600, v2;
	v3 =	vsel vm10, $0x2600, v3;
	v4 =	vsel vm10, $0xA00, v4  }
0x17: {  	v5 =	vsel vm10, $0x2A00, v5;
	v6 =	vsel vm10, $0xE00, v6;
	v7 =	vsel vm10, $0x2E00, v7  }
0x18: {  	vm10 =	vmmov $0x3ff;
	v0 =	vsel vm9, $0x280, v0;
	v1 =	vsel vm9, $0x2280, v1  }
0x19: {  	v2 =	vsel vm9, $0x680, v2;
	v3 =	vsel vm9, $0x2680, v3;
	v4 =	vsel vm9, $0xA80, v4  }
0x1a: {  	v5 =	vsel vm9, $0x2A80, v5;
	v6 =	vsel vm9, $0xE80, v6;
	v7 =	vsel vm9, $0x2E80, v7  }
0x1b: {  	vm9 =	vmmov $0x1ff;
	v0 =	vsel vm8, $0x300, v0;
	v1 =	vsel vm8, $0x2300, v1  }
0x1c: {  	v2 =	vsel vm8, $0x700, v2;
	v3 =	vsel vm8, $0x2700, v3;
	v4 =	vsel vm8, $0xB00, v4  }
0x1d: {  	v5 =	vsel vm8, $0x2B00, v5;
	v6 =	vsel vm8, $0xF00, v6;
	v7 =	vsel vm8, $0x2F00, v7  }
0x1e: {  	vm8 =	vmmov $0xff;
	v0 =	vsel vm7, $0x380, v0;
	v1 =	vsel vm7, $0x2380, v1  }
0x1f: {  	v2 =	vsel vm7, $0x780, v2;
	v3 =	vsel vm7, $0x2780, v3;
	v4 =	vsel vm7, $0xB80, v4  }
0x20: {  	v5 =	vsel vm7, $0x2B80, v5;
	v6 =	vsel vm7, $0xF80, v6;
	v7 =	vsel vm7, $0x2F80, v7  }
0x21: {  	vm7 =	vmmov $0x7f;
	v0 =	vsel vm6, $0x1000, v0;
	v1 =	vsel vm6, $0x3000, v1  }
0x22: {  	v2 =	vsel vm6, $0x1400, v2;
	v3 =	vsel vm6, $0x3400, v3;
	v4 =	vsel vm6, $0x1800, v4  }
0x23: {  	v5 =	vsel vm6, $0x3800, v5;
	v6 =	vsel vm6, $0x1C00, v6;
	v7 =	vsel vm6, $0x3C00, v7  }
0x24: {  	vm6 =	vmmov $0x3f;
	v0 =	vsel vm5, $0x1080, v0;
	v1 =	vsel vm5, $0x3080, v1  }
0x25: {  	s0 =	rddreg [dreg:$0x0];
	v2 =	vsel vm5, $0x1480, v2;
	v3 =	vsel vm5, $0x3480, v3;
	v4 =	vsel vm5, $0x1880, v4  }
0x26: {  	s1 =	rddreg [dreg:$0x1];
	v5 =	vsel vm5, $0x3880, v5;
	v6 =	vsel vm5, $0x1C80, v6;
	v7 =	vsel vm5, $0x3C80, v7  }
0x27: {  	s2 =	rddreg [dreg:$0x6];
	s3 =	srdreg.scid;
	s5 =	simm.s32 $0x0;
	vm5 =	vmmov $0x1f;
	v0 =	vsel vm4, $0x1100, v0;
	v1 =	vsel vm4, $0x3100, v1  }
0x28: {  	s7 =	stileid.u32;
	s15 =	simm.s32 $0x500;
	s19 =	simm.s32 $0x4500;
	v2 =	vsel vm4, $0x1500, v2;
	v3 =	vsel vm4, $0x3500, v3;
	v4 =	vsel vm4, $0x1900, v4  }
0x29: {  	s18 =	simm.s32 $0x8500;
	s23 =	simm.s32 $0xC500;
	s12 =	simm.s32 $0xA500;
	v5 =	vsel vm4, $0x3900, v5;
	v6 =	vsel vm4, $0x1D00, v6;
	v7 =	vsel vm4, $0x3D00, v7  }
0x2a: {  	s13 =	simm.s32 $0xB500;
	s14 =	simm.s32 $0xD500;
	s8 =	simm.s32 $0xF500;
	vm4 =	vmmov $0xf;
	v0 =	vsel vm3, $0x1180, v0;
	v1 =	vsel vm3, $0x3180, v1  }
0x2b: {  	s9 =	simm.s32 $0x8900;
	s10 =	simm.s32 $0x9900;
	s11 =	simm.s32 $0xA900;
	v2 =	vsel vm3, $0x1580, v2;
	v3 =	vsel vm3, $0x3580, v3;
	v4 =	vsel vm3, $0x1980, v4  }
0x2c: {  	s28 =	simm.s32 $0xB900;
	s29 =	simm.s32 $0xC900;
	s16 =	simm.s32 $0xD900;
	v5 =	vsel vm3, $0x3980, v5;
	v6 =	vsel vm3, $0x1D80, v6;
	v7 =	vsel vm3, $0x3D80, v7  }
0x2d: {  	s17 =	simm.s32 $0xE900;
	s20 =	simm.s32 $0xF900;
	s21 =	simm.s32 $0x8D00;
	vm3 =	vmmov $0x7;
	v0 =	vsel vm0, $0x1200, v0;
	v1 =	vsel vm0, $0x3200, v1  }
0x2e: {  	s22 =	simm.s32 $0x9D00;
	s24 =	simm.s32 $0xAD00;
	s3 =	sand.u32 $0x1, s3;
	v2 =	vsel vm0, $0x1600, v2;
	v3 =	vsel vm0, $0x3600, v3;
	v4 =	vsel vm0, $0x1A00, v4  }
0x2f: {  	s7 =	sshll.u32 s7, $0x7;
	s4 =	ssub.s32 $0x2, s3;
	s3 =	sshll.u32 s3, $0x6;
	v5 =	vsel vm0, $0x3A00, v5;
	v6 =	vsel vm0, $0x1E00, v6;
	v7 =	vsel vm0, $0x3E00, v7  }
0x30: {  	s25 =	simm.s32 $0xBD00;
	[smem:$0x7FF] =	sst s5;
	s3 =	sor.u32 s3, s7;
	v0 =	vsel vm2, $0x1280, v0;
	v1 =	vsel vm2, $0x3280, v1;
	v2 =	vsel vm2, $0x1680, v2  }
.Ltmp0:
0x31: {  	_ =	strace $0x80000047;
	s0 =	sadd.s32 s0, s3;
	v3 =	vsel vm2, $0x3680, v3;
	v4 =	vsel vm2, $0x1A80, v4;
	v5 =	vsel vm2, $0x3A80, v5;
	(pc) =	sbr.rel .LBB2_1-.Ltmp0, $4  }
0x32: {  	s6 =	sshrl.u32 s4, $0x1;
	s26 =	sadd.s32 s1, s3;
	[dreg:$0x8] =	wrdreg s0;
	v6 =	vsel vm2, $0x1E80, v6;
	v7 =	vsel vm2, $0x3E80, v7;
	vm2 =	vmmov $0x3  }
0x33: {  	s4 =	ssub.s32 s4, s6;
	s30 =	sadd.s32 s2, s3;
	[dreg:$0x9] =	wrdreg s26;
	v0 =	vsel vm1, $0x1300, v0;
	v1 =	vsel vm1, $0x3300, v1;
	v2 =	vsel vm1, $0x1700, v2  }
0x34: {  	s6 =	simm.s32 $0x5;
	[dreg:$0xa] =	wrdreg s30;
	s31 =	smax.u32 s4, $0x1;
	v3 =	vsel vm1, $0x3700, v3;
	v4 =	vsel vm1, $0x1B00, v4;
	v5 =	vsel vm1, $0x3B00, v5  }
0x35: {  	s0 =	simm.s32 $0x0;
	s26 =	simm.s32 $0xCD00;
	[dreg:$0xb] =	wrdreg s31;
	v6 =	vsel vm1, $0x1F00, v6;
	v7 =	vsel vm1, $0x3F00, v7;
	vm1 =	vmmov $0x1  }
.LBB2_5:
0x36: {  	s4 =	rddreg [dreg:$0xa];
	s0 =	simm.s32 $0x10600;
	s6 =	simm.s32 $0x5  }
0x37: {  	[hbm4b:s4+s5] =	stream.linear.scatter [tilespmem:s0], [sflag:$0x5], $0x200, $0x38;
	[tilespmem:$0x10800] =	vst v63  }
0x38: {  	_ =	swait.ge [sflag:s6], $0x200  }
0x39: {  	s30 =	rddreg [dreg:$0xc]  }
0x3a: {  	s31 =	rddreg [dreg:$0xb];
	s0 =	sadd.s32 $0x1, s30  }
0x3b: {  	p0 =	sne.s32 s0, s31  }
.Ltmp1:
0x3c: {  	_ = 	snop;
	(pc) =	sbr.rel @!p0 .LBB2_6-.Ltmp1, $3  }
0x3d: {  	_ =	sdelay $0x1  }
0x3e: {  	[sflag:s6] =	ssyncset.done $0x0  }
0x3f: {  	[sflag:s6] =	ssyncadd.s32 $0xFFFFFE00  }
.LBB2_1:
0x40: {  	[dreg:$0xc] =	wrdreg s0  }
0x41: {  	s4 =	rddreg [dreg:$0x8]  }
0x42: {  	[tilespmem:s5], [sflag:$0x5] =	stream.linear.gather [hbm4b:s4+s5], $0x200, $0x38;
	[tilespmem:$0x10800] =	vst v63  }
0x43: {  	_ =	swait.ge [sflag:s6], $0x200  }
0x44: {  	[sflag:s6] =	ssyncset.done $0x0  }
0x45: {  	s30 =	simm.s32 $0x280;
	s0 =	rddreg [dreg:$0x9];
	[sflag:s6] =	ssyncadd.s32 $0xFFFFFE00  }
0x46: {  	[tilespmem:s30], [sflag:$0x5] =	stream.linear.gather [hbm4b:s0+s5], $0x200, $0x38;
	[tilespmem:$0x10800] =	vst v63  }
0x47: {  	_ =	swait.ge [sflag:s6], $0x200  }
0x48: {  	[sflag:s6] =	ssyncset.done $0x0  }
0x49: {  	[sflag:s6] =	ssyncadd.s32 $0xFFFFFE00  }
0x4a: {  	s30 =	simm.s32 $0x10500;
	s1 =	rddreg [dreg:$0x4]  }
0x4b: {  	[tilespmem:s30], [sflag:$0x5] =	stream.linear.gather [hbm4b:s1+s5], $0x80, $0x38;
	[tilespmem:$0x10800] =	vst v63  }
0x4c: {  	_ =	swait.ge [sflag:s6], $0x80  }
0x4d: {  	[sflag:s6] =	ssyncset.done $0x0  }
0x4e: {  	[sflag:s6] =	ssyncadd.s32 $0xFFFFFF80  }
0x4f: {  	s30 =	simm.s32 $0x10580;
	s2 =	rddreg [dreg:$0x5]  }
0x50: {  	[tilespmem:s30], [sflag:$0x5] =	stream.linear.gather [hbm4b:s2+s5], $0x80, $0x38;
	[tilespmem:$0x10800] =	vst v63  }
0x51: {  	_ =	swait.ge [sflag:s6], $0x80  }
0x52: {  	[sflag:s6] =	ssyncset.done $0x0  }
0x53: {  	[sflag:s6] =	ssyncadd.s32 $0xFFFFFF80  }
0x54: {  	v8 =	vld [tilespmem:$0x0];
	_ =	sdelay $0x4  }
0x55: {  	s3 =	rddreg [dreg:$0x2];
	v8 =	vand.u32 $0xFFFFFF80, v8  }
0x56: {  	v11 =	vadd.s32 s3, v8  }
0x57: {  	(v2sf) =	vpush v11, $0x0  }
0x58: {  	v8 =	vld [tilespmem:$0x280];
	_ =	sdelay $0x4  }
0x59: {  	s6 =	rddreg [dreg:$0x3];
	v8 =	vand.u32 $0xFFFFFF80, v8  }
0x5a: {  	v12 =	vadd.s32 s6, v8  }
0x5b: {  	(v2sf) =	vpush v12, $0x0;
	_ =	sdelay $0x5  }
0x5c: {  	v9 =	vld [tilespmem:$0x10500]  }
0x5d: {  	v10 =	vld [tilespmem:$0x10510];
	s30 =	spop (v2sf)  }
0x5e: {  	v8 =	vld [tilespmem:$0x10580];
	(v2sf) =	vpush v11, $0x1;
	[tilespmem:s15], [sflag:$0x1] =	stream.linear.gather [hbm4b:s30+s5], $0x400, $0x38  }
0x5f: {  	s7 =	simm.s32 $0x1500;
	s31 =	sadd.s32 $0x18700, s30  }
0x60: {  	[tilespmem:s7], [sflag:$0x1] =	stream.linear.gather [hbm4b:s31+s5], $0x400, $0x38;
	[tilespmem:$0x10800] =	vst v63  }
0x61: {  	s2 =	simm.s32 $0x2500;
	s0 =	sadd.s32 $0x30E00, s30  }
0x62: {  	[tilespmem:s2], [sflag:$0x1] =	stream.linear.gather [hbm4b:s0+s5], $0x400, $0x38;
	[tilespmem:$0x10800] =	vst v63  }
0x63: {  	s1 =	simm.s32 $0x3500;
	s30 =	sadd.s32 $0x49500, s30  }
0x64: {  	[tilespmem:s1], [sflag:$0x1] =	stream.linear.gather [hbm4b:s30+s5], $0x400, $0x38;
	[tilespmem:$0x10800] =	vst v63  }
0x65: {  	s30 =	spop (v2sf)  }
0x66: {  	(v2sf) =	vpush v12, $0x1;
	[tilespmem:s19], [sflag:$0x2] =	stream.linear.gather [hbm4b:s30+s5], $0x400, $0x38;
	[tilespmem:$0x10800] =	vst v63  }
0x67: {  	s4 =	simm.s32 $0x5500;
	s3 =	sadd.s32 $0xF4280, s30  }
0x68: {  	[tilespmem:s4], [sflag:$0x2] =	stream.linear.gather [hbm4b:s3+s5], $0x400, $0x38;
	[tilespmem:$0x10800] =	vst v63  }
0x69: {  	s7 =	simm.s32 $0x6500;
	s6 =	sadd.s32 $0x1E8500, s30  }
0x6a: {  	[tilespmem:s7], [sflag:$0x2] =	stream.linear.gather [hbm4b:s6+s5], $0x400, $0x38;
	[tilespmem:$0x10800] =	vst v63  }
0x6b: {  	s0 =	simm.s32 $0x7500;
	s30 =	sadd.s32 $0x2DC780, s30  }
0x6c: {  	[tilespmem:s0], [sflag:$0x2] =	stream.linear.gather [hbm4b:s30+s5], $0x400, $0x38;
	[tilespmem:$0x10800] =	vst v63  }
0x6d: {  	s1 =	simm.s32 $0x900;
	s30 =	spop (v2sf)  }
0x6e: {  	(v2sf) =	vpush v11, $0x2;
	[tilespmem:s1], [sflag:$0x1] =	stream.linear.gather [hbm4b:s30+s5], $0x400, $0x38;
	[tilespmem:$0x10800] =	vst v63  }
0x6f: {  	s4 =	simm.s32 $0x1900;
	s3 =	sadd.s32 $0x18700, s30  }
0x70: {  	[tilespmem:s4], [sflag:$0x1] =	stream.linear.gather [hbm4b:s3+s5], $0x400, $0x38;
	[tilespmem:$0x10800] =	vst v63  }
0x71: {  	s7 =	simm.s32 $0x2900;
	s6 =	sadd.s32 $0x30E00, s30  }
0x72: {  	[tilespmem:s7], [sflag:$0x1] =	stream.linear.gather [hbm4b:s6+s5], $0x400, $0x38;
	[tilespmem:$0x10800] =	vst v63  }
0x73: {  	s0 =	simm.s32 $0x3900;
	s30 =	sadd.s32 $0x49500, s30  }
0x74: {  	[tilespmem:s0], [sflag:$0x1] =	stream.linear.gather [hbm4b:s30+s5], $0x400, $0x38;
	[tilespmem:$0x10800] =	vst v63  }
0x75: {  	s1 =	simm.s32 $0x4900;
	s30 =	spop (v2sf)  }
0x76: {  	(v2sf) =	vpush v12, $0x2;
	[tilespmem:s1], [sflag:$0x2] =	stream.linear.gather [hbm4b:s30+s5], $0x400, $0x38;
	[tilespmem:$0x10800] =	vst v63  }
0x77: {  	s4 =	simm.s32 $0x5900;
	s3 =	sadd.s32 $0xF4280, s30  }
0x78: {  	[tilespmem:s4], [sflag:$0x2] =	stream.linear.gather [hbm4b:s3+s5], $0x400, $0x38;
	[tilespmem:$0x10800] =	vst v63  }
0x79: {  	s7 =	simm.s32 $0x6900;
	s6 =	sadd.s32 $0x1E8500, s30  }
0x7a: {  	[tilespmem:s7], [sflag:$0x2] =	stream.linear.gather [hbm4b:s6+s5], $0x400, $0x38;
	[tilespmem:$0x10800] =	vst v63  }
0x7b: {  	s0 =	simm.s32 $0x7900;
	s30 =	sadd.s32 $0x2DC780, s30  }
0x7c: {  	[tilespmem:s0], [sflag:$0x2] =	stream.linear.gather [hbm4b:s30+s5], $0x400, $0x38;
	[tilespmem:$0x10800] =	vst v63  }
0x7d: {  	s1 =	simm.s32 $0xD00;
	s30 =	spop (v2sf)  }
0x7e: {  	(v2sf) =	vpush v11, $0x3;
	[tilespmem:s1], [sflag:$0x1] =	stream.linear.gather [hbm4b:s30+s5], $0x400, $0x38;
	[tilespmem:$0x10800] =	vst v63  }
0x7f: {  	s4 =	simm.s32 $0x1D00;
	s3 =	sadd.s32 $0x18700, s30  }
0x80: {  	[tilespmem:s4], [sflag:$0x1] =	stream.linear.gather [hbm4b:s3+s5], $0x400, $0x38;
	[tilespmem:$0x10800] =	vst v63  }
0x81: {  	s7 =	simm.s32 $0x2D00;
	s6 =	sadd.s32 $0x30E00, s30  }
0x82: {  	[tilespmem:s7], [sflag:$0x1] =	stream.linear.gather [hbm4b:s6+s5], $0x400, $0x38;
	[tilespmem:$0x10800] =	vst v63  }
0x83: {  	s0 =	simm.s32 $0x3D00;
	s30 =	sadd.s32 $0x49500, s30  }
0x84: {  	[tilespmem:s0], [sflag:$0x1] =	stream.linear.gather [hbm4b:s30+s5], $0x400, $0x38;
	[tilespmem:$0x10800] =	vst v63  }
0x85: {  	s1 =	simm.s32 $0x4D00;
	s30 =	spop (v2sf)  }
0x86: {  	(v2sf) =	vpush v12, $0x3;
	[tilespmem:s1], [sflag:$0x2] =	stream.linear.gather [hbm4b:s30+s5], $0x400, $0x38;
	[tilespmem:$0x10800] =	vst v63  }
0x87: {  	s4 =	simm.s32 $0x5D00;
	s3 =	sadd.s32 $0xF4280, s30  }
0x88: {  	[tilespmem:s4], [sflag:$0x2] =	stream.linear.gather [hbm4b:s3+s5], $0x400, $0x38;
	[tilespmem:$0x10800] =	vst v63  }
0x89: {  	s7 =	simm.s32 $0x6D00;
	s6 =	sadd.s32 $0x1E8500, s30  }
0x8a: {  	[tilespmem:s7], [sflag:$0x2] =	stream.linear.gather [hbm4b:s6+s5], $0x400, $0x38;
	[tilespmem:$0x10800] =	vst v63  }
0x8b: {  	s0 =	simm.s32 $0x7D00;
	s30 =	sadd.s32 $0x2DC780, s30  }
0x8c: {  	[tilespmem:s0], [sflag:$0x2] =	stream.linear.gather [hbm4b:s30+s5], $0x400, $0x38;
	[tilespmem:$0x10800] =	vst v63  }
0x8d: {  	s1 =	simm.s32 $0x1100;
	s30 =	spop (v2sf)  }
0x8e: {  	[tilespmem:s1], [sflag:$0x1] =	stream.linear.gather [hbm4b:s30+s5], $0x400, $0x38;
	[tilespmem:$0x10800] =	vst v63  }
0x8f: {  	s4 =	simm.s32 $0x2100;
	s3 =	sadd.s32 $0x18700, s30  }
0x90: {  	[tilespmem:s4], [sflag:$0x1] =	stream.linear.gather [hbm4b:s3+s5], $0x400, $0x38;
	[tilespmem:$0x10800] =	vst v63  }
0x91: {  	s7 =	simm.s32 $0x3100;
	s6 =	sadd.s32 $0x30E00, s30  }
0x92: {  	[tilespmem:s7], [sflag:$0x1] =	stream.linear.gather [hbm4b:s6+s5], $0x400, $0x38;
	[tilespmem:$0x10800] =	vst v63  }
0x93: {  	s0 =	simm.s32 $0x4100;
	s30 =	sadd.s32 $0x49500, s30  }
0x94: {  	[tilespmem:s0], [sflag:$0x1] =	stream.linear.gather [hbm4b:s30+s5], $0x400, $0x38;
	[tilespmem:$0x10800] =	vst v63  }
0x95: {  	s1 =	simm.s32 $0x5100;
	s30 =	spop (v2sf)  }
0x96: {  	[tilespmem:s1], [sflag:$0x2] =	stream.linear.gather [hbm4b:s30+s5], $0x400, $0x38;
	[tilespmem:$0x10800] =	vst v63  }
0x97: {  	s4 =	simm.s32 $0x6100;
	s3 =	sadd.s32 $0xF4280, s30  }
0x98: {  	[tilespmem:s4], [sflag:$0x2] =	stream.linear.gather [hbm4b:s3+s5], $0x400, $0x38;
	[tilespmem:$0x10800] =	vst v63  }
.Ltmp2:
0x99: {  	s7 =	simm.s32 $0x7100;
	s6 =	sadd.s32 $0x1E8500, s30;
	(pc) =	sbr.rel .LBB2_2-.Ltmp2, $4  }
0x9a: {  	[tilespmem:s7], [sflag:$0x2] =	stream.linear.gather [hbm4b:s6+s5], $0x400, $0x38;
	[tilespmem:$0x10800] =	vst v63  }
0x9b: {  	s31 =	simm.s32 $0x8100;
	s30 =	sadd.s32 $0x2DC780, s30  }
0x9c: {  	[tilespmem:s31], [sflag:$0x2] =	stream.linear.gather [hbm4b:s30+s5], $0x400, $0x38;
	[tilespmem:$0x10800] =	vst v63  }
0x9d: {  	s3 =	simm.s32 $0x3;
	s7 =	simm.s32 $0x4;
	s30 =	simm.s32 $0x0  }
.LBB2_4:
0x9e: {  	v13 =	vbroadcast v11, $0xC  }
0x9f: {  	_ =	swait.ge [sflag:s0], $0x4000  }
0xa0: {  	v14 =	vbroadcast v12, $0xC;
	[sflag:s0] =	ssyncset.done $0x0;
	v27 =	vor.u32 v0, v13  }
0xa1: {  	[sflag:s0] =	ssyncadd.s32 $0xFFFFC000;
	v13 =	vor.u32 v1, v13  }
0xa2: {  	v29 =	vbroadcast v11, $0xD;
	v28 =	vor.u32 v0, v14;
	_ =	swait.ge [sflag:s1], $0x4000  }
0xa3: {  	v14 =	vor.u32 v1, v14;
	[sflag:s1] =	ssyncset.done $0x0  }
0xa4: {  	v31 =	vbroadcast v12, $0xD;
	v30 =	vor.u32 v2, v29;
	[sflag:s1] =	ssyncadd.s32 $0xFFFFC000  }
0xa5: {  	v29 =	vor.u32 v3, v29;
	v27 =	vld.idx.msk [tilespmem:v27+s18+$0x0], $0xffff  }
0xa6: {  	v33 =	vbroadcast v11, $0xE;
	v32 =	vor.u32 v2, v31;
	v13 =	vld.idx.msk [tilespmem:v13+s18+$0x0], $0xffff  }
0xa7: {  	v31 =	vor.u32 v3, v31;
	v28 =	vld.idx.msk [tilespmem:v28+s23+$0x0], $0xffff  }
0xa8: {  	v35 =	vbroadcast v12, $0xE;
	v34 =	vor.u32 v4, v33;
	v14 =	vld.idx.msk [tilespmem:v14+s23+$0x0], $0xffff  }
0xa9: {  	v33 =	vor.u32 v5, v33;
	v30 =	vld.idx.msk [tilespmem:v30+s18+$0x0], $0xffff  }
0xaa: {  	v11 =	vbroadcast v11, $0xF;
	v36 =	vor.u32 v4, v35;
	v29 =	vld.idx.msk [tilespmem:v29+s18+$0x0], $0xffff  }
0xab: {  	v62 =	vbroadcast v12, $0xF;
	v35 =	vor.u32 v5, v35;
	v32 =	vld.idx.msk [tilespmem:v32+s23+$0x0], $0xffff  }
0xac: {  	v37 =	vor.u32 v6, v11;
	v31 =	vld.idx.msk [tilespmem:v31+s23+$0x0], $0xffff  }
0xad: {  	v38 =	vor.u32 v6, v62;
	v34 =	vld.idx.msk [tilespmem:v34+s18+$0x0], $0xffff  }
0xae: {  	v11 =	vor.u32 v7, v11;
	v33 =	vld.idx.msk [tilespmem:v33+s18+$0x0], $0xffff  }
0xaf: {  	v12 =	vor.u32 v7, v62;
	v36 =	vld.idx.msk [tilespmem:v36+s23+$0x0], $0xffff  }
0xb0: {  	v35 =	vld.idx.msk [tilespmem:v35+s23+$0x0], $0xffff  }
0xb1: {  	v37 =	vld.idx.msk [tilespmem:v37+s18+$0x0], $0xffff  }
0xb2: {  	v45 =	vbroadcast v21, $0xF;
	v38 =	vld.idx.msk [tilespmem:v38+s23+$0x0], $0xffff  }
0xb3: {  	v11 =	vld.idx.msk [tilespmem:v11+s18+$0x0], $0xffff;
	v27 =	vmul.f32 v28, v27;
	v13 =	vmul.f32 v14, v13  }
0xb4: {  	v12 =	vld.idx.msk [tilespmem:v12+s23+$0x0], $0xffff;
	v63 =	vmul.f32 v32, v30;
	v39 =	vmul.f32 v31, v29  }
0xb5: {  	v40 =	vmul.f32 v36, v34;
	v41 =	vmul.f32 v35, v33  }
0xb6: {  	v27 =	vmul.f32 v27, v9;
	v13 =	vmul.f32 v13, v10  }
0xb7: {  	v14 =	vmul.f32 v63, v9;
	v28 =	vmul.f32 v39, v10  }
0xb8: {  	v43 =	vmul.f32 v40, v9;
	v44 =	vmul.f32 v41, v10;
	v13 =	vadd.f32 v13, v27  }
0xb9: {  	v42 =	vmul.f32 v38, v37;
	v11 =	vmul.f32 v12, v11;
	v14 =	vadd.f32 v28, v14  }
0xba: {  	v20 =	vbroadcast v20, $0xF;
	v47 =	vbroadcast v22, $0xF;
	v46 =	vadd.f32 v44, v43;
	(xrf2) =	vadd.scan.msk.f32 $0xffff, v13  }
0xbb: {  	v48 =	vmul.f32 v42, v9;
	v11 =	vmul.f32 v11, v10;
	(xrf2) =	vadd.scan.msk.f32 $0xffff, v14  }
0xbc: {  	v18 =	vbroadcast v18, $0xF;
	v12 =	vsel vm1, v45, v20;
	(xrf2) =	vadd.scan.msk.f32 $0xffff, v46  }
0xbd: {  	v49 =	vbroadcast v19, $0xF;
	v12 =	vsel vm2, v12, v47;
	v11 =	vadd.f32 v11, v48  }
0xbe: {  	v50 =	vbroadcast v16, $0xF;
	v12 =	vsel vm3, v12, v18  }
0xbf: {  	v51 =	vbroadcast v17, $0xF;
	v12 =	vsel vm4, v12, v49;
	(xrf2) =	vadd.scan.msk.f32 $0xffff, v11  }
0xc0: {  	v52 =	vbroadcast v15, $0xF;
	v11 =	vsel vm5, v12, v50  }
0xc1: {  	v53 =	vbroadcast v26, $0xF;
	v11 =	vsel vm6, v11, v51  }
0xc2: {  	v54 =	vbroadcast v25, $0xF;
	v11 =	vsel vm7, v11, v52  }
0xc3: {  	v55 =	vbroadcast v24, $0xF;
	v11 =	vsel vm8, v11, v53  }
0xc4: {  	v57 =	vbroadcast v23, $0xF;
	v11 =	vsel vm9, v11, v54;
	v56, _, _ =	vpop (xrf2)  }
0xc5: {  	v11 =	vsel vm10, v11, v55;
	v58, _, _ =	vpop (xrf2);
	v59 =	vbroadcast v56, $0xF  }
0xc6: {  	v11 =	vsel vm11, v11, v57;
	v60, _, _ =	vpop (xrf2);
	v61 =	vbroadcast v58, $0xF  }
0xc7: {  	v11 =	vsel vm0, v59, v11;
	v62 =	vbroadcast v60, $0xF  }
0xc8: {  	v11 =	vsel vm12, v11, v61  }
0xc9: {  	v63, _, _ =	vpop (xrf2);
	v11 =	vsel vm13, v11, v62  }
0xca: {  	v11 =	vsel vm14, v11, v63  }
0xcb: {  	v11 =	vadd.f32 v11, v8;
	_ =	sdelay $0x1  }
0xcc: {  	v11 =	vsub.f32 $0.0e+00, v11;
	_ =	sdelay $0x1  }
0xcd: {  	v11 =	vmul.f32 $1.442695020e+00, v11;
	_ =	sdelay $0x1  }
0xce: {  	(erf) = vpow2.f32 v11;
	_ =	sdelay $0x8  }
0xcf: {  	v11 =	vpop (erf)  }
0xd0: {  	v11 =	vadd.f32 $1.000000000e+00, v11;
	_ =	sdelay $0x1  }
0xd1: {  	(erf) = vrcp.f32 v11;
	_ =	sdelay $0x3  }
0xd2: {  	s30 =	sadd.s32 $0x40, s30  }
0xd3: {  	p0 =	sne.s32 s30, $0x800  }
.Ltmp3:
0xd4: {  	_ = 	snop;
	(pc) =	sbr.rel @!p0 .LBB2_5-.Ltmp3, $3  }
0xd5: {  	_ =	sdelay $0x1  }
0xd6: {  	v11 =	vpop (erf)  }
0xd7: {  	s7 =	simm.s32 $0x4;
	s3 =	simm.s32 $0x3;
	[tilespmem:s31+$0x10600] =	vst v11  }
.LBB2_2:
0xd8: {  	s31 =	sshra.s32 s30, $0x2  }
0xd9: {  	v11 =	vld [tilespmem:s31+$0x0];
	_ =	sdelay $0x4  }
0xda: {  	s4 =	rddreg [dreg:$0x2];
	v12 =	vand.u32 $0xFFFFFF80, v11  }
0xdb: {  	v16 =	vadd.s32 s4, v12  }
0xdc: {  	(v2sf) =	vpush v16, $0x4  }
0xdd: {  	v12 =	vld [tilespmem:s31+$0x280];
	_ =	sdelay $0x4  }
0xde: {  	s0 =	rddreg [dreg:$0x3];
	v13 =	vand.u32 $0xFFFFFF80, v12  }
0xdf: {  	v15 =	vadd.s32 s0, v13  }
0xe0: {  	(v2sf) =	vpush v15, $0x4;
	_ =	sdelay $0x6  }
0xe1: {  	v14 =	vld [tilespmem:s31+$0x10];
	s1 =	spop (v2sf)  }
0xe2: {  	v13 =	vld [tilespmem:s31+$0x290];
	(v2sf) =	vpush v16, $0x5;
	[tilespmem:s18], [sflag:$0x3] =	stream.linear.gather [hbm4b:s1+s5], $0x400, $0x38  }
0xe3: {  	s0 =	simm.s32 $0x9500;
	s6 =	sadd.s32 $0x18700, s1  }
0xe4: {  	[tilespmem:s0], [sflag:$0x3] =	stream.linear.gather [hbm4b:s6+s5], $0x400, $0x38;
	[tilespmem:$0x10800] =	vst v63  }
0xe5: {  	s2 =	sadd.s32 $0x30E00, s1  }
0xe6: {  	[tilespmem:s12], [sflag:$0x3] =	stream.linear.gather [hbm4b:s2+s5], $0x400, $0x38;
	[tilespmem:$0x10800] =	vst v63  }
0xe7: {  	s4 =	sadd.s32 $0x49500, s1  }
0xe8: {  	[tilespmem:s13], [sflag:$0x3] =	stream.linear.gather [hbm4b:s4+s5], $0x400, $0x38;
	[tilespmem:$0x10800] =	vst v63  }
0xe9: {  	s4 =	spop (v2sf)  }
0xea: {  	(v2sf) =	vpush v15, $0x5;
	[tilespmem:s23], [sflag:$0x4] =	stream.linear.gather [hbm4b:s4+s5], $0x400, $0x38;
	[tilespmem:$0x10800] =	vst v63  }
0xeb: {  	s0 =	sadd.s32 $0xF4280, s4  }
0xec: {  	[tilespmem:s14], [sflag:$0x4] =	stream.linear.gather [hbm4b:s0+s5], $0x400, $0x38;
	[tilespmem:$0x10800] =	vst v63  }
0xed: {  	s2 =	simm.s32 $0xE500;
	s1 =	sadd.s32 $0x1E8500, s4  }
0xee: {  	[tilespmem:s2], [sflag:$0x4] =	stream.linear.gather [hbm4b:s1+s5], $0x400, $0x38;
	[tilespmem:$0x10800] =	vst v63  }
0xef: {  	s4 =	sadd.s32 $0x2DC780, s4  }
0xf0: {  	[tilespmem:s8], [sflag:$0x4] =	stream.linear.gather [hbm4b:s4+s5], $0x400, $0x38;
	[tilespmem:$0x10800] =	vst v63  }
0xf1: {  	s1 =	spop (v2sf)  }
0xf2: {  	(v2sf) =	vpush v16, $0x6;
	[tilespmem:s9], [sflag:$0x3] =	stream.linear.gather [hbm4b:s1+s5], $0x400, $0x38;
	[tilespmem:$0x10800] =	vst v63  }
0xf3: {  	s2 =	sadd.s32 $0x18700, s1  }
0xf4: {  	[tilespmem:s10], [sflag:$0x3] =	stream.linear.gather [hbm4b:s2+s5], $0x400, $0x38;
	[tilespmem:$0x10800] =	vst v63  }
0xf5: {  	s0 =	sadd.s32 $0x30E00, s1  }
0xf6: {  	[tilespmem:s11], [sflag:$0x3] =	stream.linear.gather [hbm4b:s0+s5], $0x400, $0x38;
	[tilespmem:$0x10800] =	vst v63  }
0xf7: {  	s4 =	sadd.s32 $0x49500, s1  }
0xf8: {  	[tilespmem:s28], [sflag:$0x3] =	stream.linear.gather [hbm4b:s4+s5], $0x400, $0x38;
	[tilespmem:$0x10800] =	vst v63  }
0xf9: {  	s1 =	spop (v2sf)  }
0xfa: {  	(v2sf) =	vpush v15, $0x6;
	[tilespmem:s29], [sflag:$0x4] =	stream.linear.gather [hbm4b:s1+s5], $0x400, $0x38;
	[tilespmem:$0x10800] =	vst v63  }
0xfb: {  	s2 =	sadd.s32 $0xF4280, s1  }
0xfc: {  	[tilespmem:s16], [sflag:$0x4] =	stream.linear.gather [hbm4b:s2+s5], $0x400, $0x38;
	[tilespmem:$0x10800] =	vst v63  }
0xfd: {  	s0 =	sadd.s32 $0x1E8500, s1  }
0xfe: {  	[tilespmem:s17], [sflag:$0x4] =	stream.linear.gather [hbm4b:s0+s5], $0x400, $0x38;
	[tilespmem:$0x10800] =	vst v63  }
0xff: {  	s4 =	sadd.s32 $0x2DC780, s1  }
0x100: {  	[tilespmem:s20], [sflag:$0x4] =	stream.linear.gather [hbm4b:s4+s5], $0x400, $0x38;
	[tilespmem:$0x10800] =	vst v63  }
0x101: {  	s1 =	spop (v2sf)  }
0x102: {  	(v2sf) =	vpush v16, $0x7;
	[tilespmem:s21], [sflag:$0x3] =	stream.linear.gather [hbm4b:s1+s5], $0x400, $0x38;
	[tilespmem:$0x10800] =	vst v63  }
0x103: {  	s2 =	sadd.s32 $0x18700, s1  }
0x104: {  	[tilespmem:s22], [sflag:$0x3] =	stream.linear.gather [hbm4b:s2+s5], $0x400, $0x38;
	[tilespmem:$0x10800] =	vst v63  }
0x105: {  	s0 =	sadd.s32 $0x30E00, s1  }
0x106: {  	[tilespmem:s24], [sflag:$0x3] =	stream.linear.gather [hbm4b:s0+s5], $0x400, $0x38;
	[tilespmem:$0x10800] =	vst v63  }
0x107: {  	s4 =	sadd.s32 $0x49500, s1  }
0x108: {  	[tilespmem:s25], [sflag:$0x3] =	stream.linear.gather [hbm4b:s4+s5], $0x400, $0x38;
	[tilespmem:$0x10800] =	vst v63  }
0x109: {  	s4 =	spop (v2sf)  }
0x10a: {  	(v2sf) =	vpush v15, $0x7;
	[tilespmem:s26], [sflag:$0x4] =	stream.linear.gather [hbm4b:s4+s5], $0x400, $0x38;
	[tilespmem:$0x10800] =	vst v63  }
0x10b: {  	s2 =	simm.s32 $0xDD00;
	s1 =	sadd.s32 $0xF4280, s4  }
0x10c: {  	[tilespmem:s2], [sflag:$0x4] =	stream.linear.gather [hbm4b:s1+s5], $0x400, $0x38;
	[tilespmem:$0x10800] =	vst v63  }
0x10d: {  	s0 =	sadd.s32 $0x1E8500, s4;
	s1 =	simm.s32 $0xED00  }
0x10e: {  	[tilespmem:s1], [sflag:$0x4] =	stream.linear.gather [hbm4b:s0+s5], $0x400, $0x38;
	[tilespmem:$0x10800] =	vst v63  }
0x10f: {  	s4 =	sadd.s32 $0x2DC780, s4;
	s2 =	simm.s32 $0xFD00  }
0x110: {  	[tilespmem:s2], [sflag:$0x4] =	stream.linear.gather [hbm4b:s4+s5], $0x400, $0x38;
	[tilespmem:$0x10800] =	vst v63  }
0x111: {  	s6 =	simm.s32 $0x9100;
	s4 =	spop (v2sf)  }
0x112: {  	[tilespmem:s6], [sflag:$0x3] =	stream.linear.gather [hbm4b:s4+s5], $0x400, $0x38;
	[tilespmem:$0x10800] =	vst v63  }
0x113: {  	s2 =	simm.s32 $0xA100;
	s1 =	sadd.s32 $0x18700, s4  }
0x114: {  	[tilespmem:s2], [sflag:$0x3] =	stream.linear.gather [hbm4b:s1+s5], $0x400, $0x38;
	[tilespmem:$0x10800] =	vst v63  }
0x115: {  	s0 =	sadd.s32 $0x30E00, s4;
	s1 =	simm.s32 $0xB100  }
0x116: {  	[tilespmem:s1], [sflag:$0x3] =	stream.linear.gather [hbm4b:s0+s5], $0x400, $0x38;
	[tilespmem:$0x10800] =	vst v63  }
0x117: {  	s4 =	sadd.s32 $0x49500, s4;
	s2 =	simm.s32 $0xC100  }
0x118: {  	[tilespmem:s2], [sflag:$0x3] =	stream.linear.gather [hbm4b:s4+s5], $0x400, $0x38;
	[tilespmem:$0x10800] =	vst v63  }
0x119: {  	s6 =	simm.s32 $0xD100;
	s4 =	spop (v2sf)  }
0x11a: {  	[tilespmem:s6], [sflag:$0x4] =	stream.linear.gather [hbm4b:s4+s5], $0x400, $0x38;
	[tilespmem:$0x10800] =	vst v63  }
0x11b: {  	s2 =	simm.s32 $0xE100;
	s1 =	sadd.s32 $0xF4280, s4  }
0x11c: {  	[tilespmem:s2], [sflag:$0x4] =	stream.linear.gather [hbm4b:s1+s5], $0x400, $0x38;
	[tilespmem:$0x10800] =	vst v63  }
0x11d: {  	s0 =	sadd.s32 $0x1E8500, s4;
	s1 =	simm.s32 $0xF100  }
0x11e: {  	[tilespmem:s1], [sflag:$0x4] =	stream.linear.gather [hbm4b:s0+s5], $0x400, $0x38;
	[tilespmem:$0x10800] =	vst v63  }
0x11f: {  	v11 =	vand.u32 $0x7F, v11;
	s4 =	sadd.s32 $0x2DC780, s4;
	s2 =	simm.s32 $0x10100;
	s0 =	simm.s32 $0x1  }
0x120: {  	v17 =	vbroadcast v11, $0x0;
	[tilespmem:s2], [sflag:$0x4] =	stream.linear.gather [hbm4b:s4+s5], $0x400, $0x38;
	[tilespmem:$0x10800] =	vst v63  }
0x121: {  	v12 =	vand.u32 $0x7F, v12;
	_ =	swait.ge [sflag:s0], $0x4000  }
0x122: {  	v19 =	vor.u32 v0, v17;
	v18 =	vbroadcast v12, $0x0;
	[sflag:s0] =	ssyncset.done $0x0  }
0x123: {  	v20 =	vor.u32 v1, v17;
	s1 =	simm.s32 $0x2;
	[sflag:s0] =	ssyncadd.s32 $0xFFFFC000  }
0x124: {  	v22 =	vbroadcast v11, $0x1;
	v21 =	vor.u32 v0, v18;
	_ =	swait.ge [sflag:s1], $0x4000  }
0x125: {  	v23 =	vor.u32 v1, v18;
	[sflag:s1] =	ssyncset.done $0x0  }
0x126: {  	v24 =	vor.u32 v2, v22;
	v25 =	vbroadcast v12, $0x1;
	(v2sf) =	vpush v16, $0x8;
	[sflag:s1] =	ssyncadd.s32 $0xFFFFC000  }
0x127: {  	v22 =	vor.u32 v3, v22;
	v17 =	vld.idx.msk [tilespmem:v19+s15+$0x0], $0xffff  }
0x128: {  	v30 =	vbroadcast v11, $0x3;
	v26 =	vor.u32 v2, v25;
	v18 =	vld.idx.msk [tilespmem:v20+s15+$0x0], $0xffff  }
0x129: {  	v28 =	vor.u32 v3, v25;
	v19 =	vld.idx.msk [tilespmem:v21+s19+$0x0], $0xffff  }
0x12a: {  	v59 =	vor.u32 v6, v30;
	v31 =	vbroadcast v12, $0x3;
	v20 =	vld.idx.msk [tilespmem:v23+s19+$0x0], $0xffff  }
0x12b: {  	v32 =	vor.u32 v7, v30;
	v21 =	vld.idx.msk [tilespmem:v24+s15+$0x0], $0xffff  }
0x12c: {  	v27 =	vbroadcast v11, $0x2;
	v33 =	vor.u32 v6, v31;
	v22 =	vld.idx.msk [tilespmem:v22+s15+$0x0], $0xffff  }
0x12d: {  	v34 =	vor.u32 v7, v31;
	v25 =	vld.idx.msk [tilespmem:v26+s19+$0x0], $0xffff  }
0x12e: {  	v29 =	vbroadcast v12, $0x2;
	(v2sf) =	vpush v15, $0x8;
	v23 =	vor.u32 v4, v27;
	v26 =	vld.idx.msk [tilespmem:v28+s19+$0x0], $0xffff  }
0x12f: {  	v24 =	vor.u32 v5, v27;
	v28 =	vld.idx.msk [tilespmem:v59+s15+$0x0], $0xffff  }
0x130: {  	v27 =	vor.u32 v4, v29;
	v61 =	vld.idx.msk [tilespmem:v32+s15+$0x0], $0xffff  }
0x131: {  	v29 =	vor.u32 v5, v29;
	v62 =	vld.idx.msk [tilespmem:v33+s19+$0x0], $0xffff  }
0x132: {  	v63 =	vld.idx.msk [tilespmem:v34+s19+$0x0], $0xffff  }
0x133: {  	v23 =	vld.idx.msk [tilespmem:v23+s15+$0x0], $0xffff  }
0x134: {  	v24 =	vld.idx.msk [tilespmem:v24+s15+$0x0], $0xffff  }
0x135: {  	v27 =	vld.idx.msk [tilespmem:v27+s19+$0x0], $0xffff;
	s4 =	spop (v2sf)  }
0x136: {  	v60 =	vld.idx.msk [tilespmem:v29+s19+$0x0], $0xffff;
	(v2sf) =	vpush v16, $0x9;
	[tilespmem:s15], [sflag:$0x1] =	stream.linear.gather [hbm4b:s4+s5], $0x400, $0x38  }
0x137: {  	s2 =	simm.s32 $0x1500;
	s6 =	sadd.s32 $0x18700, s4  }
0x138: {  	[tilespmem:s2], [sflag:$0x1] =	stream.linear.gather [hbm4b:s6+s5], $0x400, $0x38;
	[tilespmem:$0x10800] =	vst v63  }
0x139: {  	s6 =	sadd.s32 $0x30E00, s4;
	s2 =	simm.s32 $0x2500  }
0x13a: {  	[tilespmem:s2], [sflag:$0x1] =	stream.linear.gather [hbm4b:s6+s5], $0x400, $0x38;
	[tilespmem:$0x10800] =	vst v63  }
0x13b: {  	s4 =	sadd.s32 $0x49500, s4;
	s6 =	simm.s32 $0x3500  }
0x13c: {  	[tilespmem:s6], [sflag:$0x1] =	stream.linear.gather [hbm4b:s4+s5], $0x400, $0x38;
	[tilespmem:$0x10800] =	vst v63  }
0x13d: {  	s4 =	spop (v2sf)  }
0x13e: {  	(v2sf) =	vpush v15, $0x9;
	[tilespmem:s19], [sflag:$0x2] =	stream.linear.gather [hbm4b:s4+s5], $0x400, $0x38;
	[tilespmem:$0x10800] =	vst v63  }
0x13f: {  	s2 =	simm.s32 $0x5500;
	s6 =	sadd.s32 $0xF4280, s4  }
0x140: {  	[tilespmem:s2], [sflag:$0x2] =	stream.linear.gather [hbm4b:s6+s5], $0x400, $0x38;
	[tilespmem:$0x10800] =	vst v63  }
0x141: {  	s6 =	sadd.s32 $0x1E8500, s4;
	s2 =	simm.s32 $0x6500  }
0x142: {  	[tilespmem:s2], [sflag:$0x2] =	stream.linear.gather [hbm4b:s6+s5], $0x400, $0x38;
	[tilespmem:$0x10800] =	vst v63  }
0x143: {  	s4 =	sadd.s32 $0x2DC780, s4;
	s6 =	simm.s32 $0x7500  }
0x144: {  	[tilespmem:s6], [sflag:$0x2] =	stream.linear.gather [hbm4b:s4+s5], $0x400, $0x38;
	[tilespmem:$0x10800] =	vst v63  }
0x145: {  	s4 =	spop (v2sf);
	s6 =	simm.s32 $0x900  }
0x146: {  	(v2sf) =	vpush v16, $0xA;
	[tilespmem:s6], [sflag:$0x1] =	stream.linear.gather [hbm4b:s4+s5], $0x400, $0x38;
	[tilespmem:$0x10800] =	vst v63  }
0x147: {  	s2 =	simm.s32 $0x1900;
	s6 =	sadd.s32 $0x18700, s4  }
0x148: {  	[tilespmem:s2], [sflag:$0x1] =	stream.linear.gather [hbm4b:s6+s5], $0x400, $0x38;
	[tilespmem:$0x10800] =	vst v63  }
0x149: {  	s6 =	sadd.s32 $0x30E00, s4;
	s2 =	simm.s32 $0x2900  }
0x14a: {  	[tilespmem:s2], [sflag:$0x1] =	stream.linear.gather [hbm4b:s6+s5], $0x400, $0x38;
	[tilespmem:$0x10800] =	vst v63  }
0x14b: {  	s4 =	sadd.s32 $0x49500, s4;
	s6 =	simm.s32 $0x3900  }
0x14c: {  	[tilespmem:s6], [sflag:$0x1] =	stream.linear.gather [hbm4b:s4+s5], $0x400, $0x38;
	[tilespmem:$0x10800] =	vst v63  }
0x14d: {  	s4 =	spop (v2sf);
	s6 =	simm.s32 $0x4900  }
0x14e: {  	(v2sf) =	vpush v15, $0xA;
	[tilespmem:s6], [sflag:$0x2] =	stream.linear.gather [hbm4b:s4+s5], $0x400, $0x38;
	[tilespmem:$0x10800] =	vst v63  }
0x14f: {  	s2 =	simm.s32 $0x5900;
	s6 =	sadd.s32 $0xF4280, s4  }
0x150: {  	[tilespmem:s2], [sflag:$0x2] =	stream.linear.gather [hbm4b:s6+s5], $0x400, $0x38;
	[tilespmem:$0x10800] =	vst v63  }
0x151: {  	s6 =	sadd.s32 $0x1E8500, s4;
	s2 =	simm.s32 $0x6900  }
0x152: {  	[tilespmem:s2], [sflag:$0x2] =	stream.linear.gather [hbm4b:s6+s5], $0x400, $0x38;
	[tilespmem:$0x10800] =	vst v63  }
0x153: {  	s4 =	sadd.s32 $0x2DC780, s4;
	s6 =	simm.s32 $0x7900  }
0x154: {  	[tilespmem:s6], [sflag:$0x2] =	stream.linear.gather [hbm4b:s4+s5], $0x400, $0x38;
	[tilespmem:$0x10800] =	vst v63  }
0x155: {  	s4 =	spop (v2sf);
	s6 =	simm.s32 $0xD00  }
0x156: {  	(v2sf) =	vpush v16, $0xB;
	[tilespmem:s6], [sflag:$0x1] =	stream.linear.gather [hbm4b:s4+s5], $0x400, $0x38;
	[tilespmem:$0x10800] =	vst v63  }
0x157: {  	s2 =	simm.s32 $0x1D00;
	s6 =	sadd.s32 $0x18700, s4  }
0x158: {  	[tilespmem:s2], [sflag:$0x1] =	stream.linear.gather [hbm4b:s6+s5], $0x400, $0x38;
	[tilespmem:$0x10800] =	vst v63  }
0x159: {  	s6 =	sadd.s32 $0x30E00, s4;
	s2 =	simm.s32 $0x2D00  }
0x15a: {  	[tilespmem:s2], [sflag:$0x1] =	stream.linear.gather [hbm4b:s6+s5], $0x400, $0x38;
	[tilespmem:$0x10800] =	vst v63  }
0x15b: {  	s4 =	sadd.s32 $0x49500, s4;
	s6 =	simm.s32 $0x3D00  }
0x15c: {  	[tilespmem:s6], [sflag:$0x1] =	stream.linear.gather [hbm4b:s4+s5], $0x400, $0x38;
	[tilespmem:$0x10800] =	vst v63  }
0x15d: {  	s4 =	spop (v2sf);
	s6 =	simm.s32 $0x4D00  }
0x15e: {  	(v2sf) =	vpush v15, $0xB;
	[tilespmem:s6], [sflag:$0x2] =	stream.linear.gather [hbm4b:s4+s5], $0x400, $0x38;
	[tilespmem:$0x10800] =	vst v63  }
0x15f: {  	s2 =	simm.s32 $0x5D00;
	s6 =	sadd.s32 $0xF4280, s4  }
0x160: {  	[tilespmem:s2], [sflag:$0x2] =	stream.linear.gather [hbm4b:s6+s5], $0x400, $0x38;
	[tilespmem:$0x10800] =	vst v63  }
0x161: {  	s6 =	sadd.s32 $0x1E8500, s4;
	s2 =	simm.s32 $0x6D00  }
0x162: {  	[tilespmem:s2], [sflag:$0x2] =	stream.linear.gather [hbm4b:s6+s5], $0x400, $0x38;
	[tilespmem:$0x10800] =	vst v63  }
0x163: {  	s4 =	sadd.s32 $0x2DC780, s4;
	s6 =	simm.s32 $0x7D00  }
0x164: {  	[tilespmem:s6], [sflag:$0x2] =	stream.linear.gather [hbm4b:s4+s5], $0x400, $0x38;
	[tilespmem:$0x10800] =	vst v63  }
0x165: {  	s4 =	spop (v2sf);
	s6 =	simm.s32 $0x1100  }
0x166: {  	[tilespmem:s6], [sflag:$0x1] =	stream.linear.gather [hbm4b:s4+s5], $0x400, $0x38;
	[tilespmem:$0x10800] =	vst v63  }
0x167: {  	s2 =	simm.s32 $0x2100;
	s6 =	sadd.s32 $0x18700, s4  }
0x168: {  	[tilespmem:s2], [sflag:$0x1] =	stream.linear.gather [hbm4b:s6+s5], $0x400, $0x38;
	[tilespmem:$0x10800] =	vst v63  }
0x169: {  	s6 =	sadd.s32 $0x30E00, s4;
	s2 =	simm.s32 $0x3100  }
0x16a: {  	[tilespmem:s2], [sflag:$0x1] =	stream.linear.gather [hbm4b:s6+s5], $0x400, $0x38;
	[tilespmem:$0x10800] =	vst v63  }
0x16b: {  	s4 =	sadd.s32 $0x49500, s4;
	s6 =	simm.s32 $0x4100  }
0x16c: {  	[tilespmem:s6], [sflag:$0x1] =	stream.linear.gather [hbm4b:s4+s5], $0x400, $0x38;
	[tilespmem:$0x10800] =	vst v63  }
0x16d: {  	s4 =	spop (v2sf);
	s6 =	simm.s32 $0x5100  }
0x16e: {  	[tilespmem:s6], [sflag:$0x2] =	stream.linear.gather [hbm4b:s4+s5], $0x400, $0x38;
	[tilespmem:$0x10800] =	vst v63  }
0x16f: {  	s2 =	simm.s32 $0x6100;
	s6 =	sadd.s32 $0xF4280, s4  }
0x170: {  	[tilespmem:s2], [sflag:$0x2] =	stream.linear.gather [hbm4b:s6+s5], $0x400, $0x38;
	[tilespmem:$0x10800] =	vst v63  }
0x171: {  	s6 =	sadd.s32 $0x1E8500, s4;
	s2 =	simm.s32 $0x7100  }
0x172: {  	[tilespmem:s2], [sflag:$0x2] =	stream.linear.gather [hbm4b:s6+s5], $0x400, $0x38;
	[tilespmem:$0x10800] =	vst v63  }
0x173: {  	s4 =	sadd.s32 $0x2DC780, s4;
	s6 =	simm.s32 $0x8100  }
0x174: {  	v47 =	vbroadcast v11, $0x4;
	[tilespmem:s6], [sflag:$0x2] =	stream.linear.gather [hbm4b:s4+s5], $0x400, $0x38;
	[tilespmem:$0x10800] =	vst v63  }
0x175: {  	_ =	swait.ge [sflag:s3], $0x4000  }
0x176: {  	v35 =	vor.u32 v0, v47;
	v48 =	vbroadcast v12, $0x4;
	[sflag:s3] =	ssyncset.done $0x0  }
0x177: {  	v33 =	vor.u32 v1, v47;
	[sflag:s3] =	ssyncadd.s32 $0xFFFFC000  }
0x178: {  	v37 =	vbroadcast v11, $0x5;
	v36 =	vor.u32 v0, v48;
	_ =	swait.ge [sflag:s7], $0x4000  }
0x179: {  	v34 =	vor.u32 v1, v48;
	[sflag:s7] =	ssyncset.done $0x0  }
0x17a: {  	v38 =	vor.u32 v2, v37;
	v39 =	vbroadcast v12, $0x5;
	(v2sf) =	vpush v16, $0xC;
	[sflag:s7] =	ssyncadd.s32 $0xFFFFC000  }
0x17b: {  	v37 =	vor.u32 v3, v37;
	v35 =	vld.idx.msk [tilespmem:v35+s18+$0x0], $0xffff  }
0x17c: {  	v41 =	vbroadcast v11, $0x6;
	v40 =	vor.u32 v2, v39;
	v33 =	vld.idx.msk [tilespmem:v33+s18+$0x0], $0xffff  }
0x17d: {  	v39 =	vor.u32 v3, v39;
	v36 =	vld.idx.msk [tilespmem:v36+s23+$0x0], $0xffff  }
0x17e: {  	v42 =	vor.u32 v4, v41;
	v43 =	vbroadcast v12, $0x6;
	v34 =	vld.idx.msk [tilespmem:v34+s23+$0x0], $0xffff  }
0x17f: {  	v41 =	vor.u32 v5, v41;
	v38 =	vld.idx.msk [tilespmem:v38+s18+$0x0], $0xffff  }
0x180: {  	v45 =	vbroadcast v11, $0x7;
	v44 =	vor.u32 v4, v43;
	v37 =	vld.idx.msk [tilespmem:v37+s18+$0x0], $0xffff  }
0x181: {  	v43 =	vor.u32 v5, v43;
	v40 =	vld.idx.msk [tilespmem:v40+s23+$0x0], $0xffff  }
0x182: {  	v46 =	vor.u32 v6, v45;
	v47 =	vbroadcast v12, $0x7;
	(v2sf) =	vpush v15, $0xC;
	v39 =	vld.idx.msk [tilespmem:v39+s23+$0x0], $0xffff  }
0x183: {  	v45 =	vor.u32 v7, v45;
	v42 =	vld.idx.msk [tilespmem:v42+s18+$0x0], $0xffff  }
0x184: {  	v48 =	vor.u32 v6, v47;
	v41 =	vld.idx.msk [tilespmem:v41+s18+$0x0], $0xffff  }
0x185: {  	v47 =	vor.u32 v7, v47;
	v44 =	vld.idx.msk [tilespmem:v44+s23+$0x0], $0xffff  }
0x186: {  	v43 =	vld.idx.msk [tilespmem:v43+s23+$0x0], $0xffff  }
0x187: {  	v46 =	vld.idx.msk [tilespmem:v46+s18+$0x0], $0xffff  }
0x188: {  	v45 =	vld.idx.msk [tilespmem:v45+s18+$0x0], $0xffff  }
0x189: {  	v48 =	vld.idx.msk [tilespmem:v48+s23+$0x0], $0xffff;
	s4 =	spop (v2sf)  }
0x18a: {  	v47 =	vld.idx.msk [tilespmem:v47+s23+$0x0], $0xffff;
	(v2sf) =	vpush v16, $0xD;
	[tilespmem:s18], [sflag:$0x3] =	stream.linear.gather [hbm4b:s4+s5], $0x400, $0x38  }
0x18b: {  	s3 =	simm.s32 $0x9500;
	s2 =	sadd.s32 $0x18700, s4  }
0x18c: {  	[tilespmem:s3], [sflag:$0x3] =	stream.linear.gather [hbm4b:s2+s5], $0x400, $0x38;
	[tilespmem:$0x10800] =	vst v63  }
0x18d: {  	s7 =	sadd.s32 $0x30E00, s4  }
0x18e: {  	[tilespmem:s12], [sflag:$0x3] =	stream.linear.gather [hbm4b:s7+s5], $0x400, $0x38;
	[tilespmem:$0x10800] =	vst v63  }
0x18f: {  	s4 =	sadd.s32 $0x49500, s4  }
0x190: {  	[tilespmem:s13], [sflag:$0x3] =	stream.linear.gather [hbm4b:s4+s5], $0x400, $0x38;
	[tilespmem:$0x10800] =	vst v63  }
0x191: {  	s4 =	spop (v2sf)  }
0x192: {  	(v2sf) =	vpush v15, $0xD;
	[tilespmem:s23], [sflag:$0x4] =	stream.linear.gather [hbm4b:s4+s5], $0x400, $0x38;
	[tilespmem:$0x10800] =	vst v63  }
0x193: {  	s2 =	sadd.s32 $0xF4280, s4  }
0x194: {  	[tilespmem:s14], [sflag:$0x4] =	stream.linear.gather [hbm4b:s2+s5], $0x400, $0x38;
	[tilespmem:$0x10800] =	vst v63  }
0x195: {  	s7 =	simm.s32 $0xE500;
	s3 =	sadd.s32 $0x1E8500, s4  }
0x196: {  	[tilespmem:s7], [sflag:$0x4] =	stream.linear.gather [hbm4b:s3+s5], $0x400, $0x38;
	[tilespmem:$0x10800] =	vst v63  }
0x197: {  	s4 =	sadd.s32 $0x2DC780, s4  }
0x198: {  	[tilespmem:s8], [sflag:$0x4] =	stream.linear.gather [hbm4b:s4+s5], $0x400, $0x38;
	[tilespmem:$0x10800] =	vst v63  }
0x199: {  	s3 =	spop (v2sf)  }
0x19a: {  	(v2sf) =	vpush v16, $0xE;
	[tilespmem:s9], [sflag:$0x3] =	stream.linear.gather [hbm4b:s3+s5], $0x400, $0x38;
	[tilespmem:$0x10800] =	vst v63  }
0x19b: {  	s7 =	sadd.s32 $0x18700, s3  }
0x19c: {  	[tilespmem:s10], [sflag:$0x3] =	stream.linear.gather [hbm4b:s7+s5], $0x400, $0x38;
	[tilespmem:$0x10800] =	vst v63  }
0x19d: {  	s2 =	sadd.s32 $0x30E00, s3  }
0x19e: {  	[tilespmem:s11], [sflag:$0x3] =	stream.linear.gather [hbm4b:s2+s5], $0x400, $0x38;
	[tilespmem:$0x10800] =	vst v63  }
0x19f: {  	s4 =	sadd.s32 $0x49500, s3  }
0x1a0: {  	[tilespmem:s28], [sflag:$0x3] =	stream.linear.gather [hbm4b:s4+s5], $0x400, $0x38;
	[tilespmem:$0x10800] =	vst v63  }
0x1a1: {  	s3 =	spop (v2sf)  }
0x1a2: {  	(v2sf) =	vpush v15, $0xE;
	[tilespmem:s29], [sflag:$0x4] =	stream.linear.gather [hbm4b:s3+s5], $0x400, $0x38;
	[tilespmem:$0x10800] =	vst v63  }
0x1a3: {  	s7 =	sadd.s32 $0xF4280, s3  }
0x1a4: {  	[tilespmem:s16], [sflag:$0x4] =	stream.linear.gather [hbm4b:s7+s5], $0x400, $0x38;
	[tilespmem:$0x10800] =	vst v63  }
0x1a5: {  	s2 =	sadd.s32 $0x1E8500, s3  }
0x1a6: {  	[tilespmem:s17], [sflag:$0x4] =	stream.linear.gather [hbm4b:s2+s5], $0x400, $0x38;
	[tilespmem:$0x10800] =	vst v63  }
0x1a7: {  	s4 =	sadd.s32 $0x2DC780, s3  }
0x1a8: {  	[tilespmem:s20], [sflag:$0x4] =	stream.linear.gather [hbm4b:s4+s5], $0x400, $0x38;
	[tilespmem:$0x10800] =	vst v63  }
0x1a9: {  	s3 =	spop (v2sf)  }
0x1aa: {  	(v2sf) =	vpush v16, $0xF;
	[tilespmem:s21], [sflag:$0x3] =	stream.linear.gather [hbm4b:s3+s5], $0x400, $0x38;
	[tilespmem:$0x10800] =	vst v63  }
0x1ab: {  	s7 =	sadd.s32 $0x18700, s3  }
0x1ac: {  	[tilespmem:s22], [sflag:$0x3] =	stream.linear.gather [hbm4b:s7+s5], $0x400, $0x38;
	[tilespmem:$0x10800] =	vst v63  }
0x1ad: {  	s2 =	sadd.s32 $0x30E00, s3  }
0x1ae: {  	[tilespmem:s24], [sflag:$0x3] =	stream.linear.gather [hbm4b:s2+s5], $0x400, $0x38;
	[tilespmem:$0x10800] =	vst v63  }
0x1af: {  	s4 =	sadd.s32 $0x49500, s3  }
0x1b0: {  	[tilespmem:s25], [sflag:$0x3] =	stream.linear.gather [hbm4b:s4+s5], $0x400, $0x38;
	[tilespmem:$0x10800] =	vst v63  }
0x1b1: {  	v16 =	vmul.f32 v19, v17;
	s4 =	spop (v2sf)  }
0x1b2: {  	v17 =	vmul.f32 v20, v18;
	v18 =	vmul.f32 v25, v21;
	[tilespmem:s26], [sflag:$0x4] =	stream.linear.gather [hbm4b:s4+s5], $0x400, $0x38;
	[tilespmem:$0x10800] =	vst v63  }
0x1b3: {  	v19 =	vmul.f32 v26, v22;
	v20 =	vmul.f32 v27, v23;
	s7 =	simm.s32 $0xDD00;
	s3 =	sadd.s32 $0xF4280, s4  }
0x1b4: {  	v21 =	vmul.f32 v60, v24;
	v22 =	vmul.f32 v62, v28;
	[tilespmem:s7], [sflag:$0x4] =	stream.linear.gather [hbm4b:s3+s5], $0x400, $0x38;
	[tilespmem:$0x10800] =	vst v63  }
0x1b5: {  	v23 =	vmul.f32 v63, v61;
	v24 =	vmul.f32 v34, v33;
	s2 =	sadd.s32 $0x1E8500, s4;
	s3 =	simm.s32 $0xED00  }
0x1b6: {  	v25 =	vmul.f32 v40, v38;
	v16 =	vmul.f32 v16, v9;
	[tilespmem:s3], [sflag:$0x4] =	stream.linear.gather [hbm4b:s2+s5], $0x400, $0x38;
	[tilespmem:$0x10800] =	vst v63  }
0x1b7: {  	s6 =	simm.s32 $0xFD00;
	v17 =	vmul.f32 v17, v10;
	v18 =	vmul.f32 v18, v9;
	s4 =	sadd.s32 $0x2DC780, s4  }
0x1b8: {  	v19 =	vmul.f32 v19, v10;
	v20 =	vmul.f32 v20, v9;
	[tilespmem:s6], [sflag:$0x4] =	stream.linear.gather [hbm4b:s4+s5], $0x400, $0x38;
	[tilespmem:$0x10800] =	vst v63  }
0x1b9: {  	v21 =	vmul.f32 v21, v10;
	v16 =	vadd.f32 v17, v16;
	s4 =	spop (v2sf);
	(v2sf) =	vpush v15, $0xF  }
0x1ba: {  	v26 =	vmul.f32 v39, v37;
	v18 =	vadd.f32 v19, v18;
	v19 =	vmul.f32 v25, v9  }
0x1bb: {  	(xrf2) =	vadd.scan.msk.f32 $0xffff, v16;
	v16 =	vadd.f32 v21, v20;
	v20 =	vmul.f32 v44, v42;
	v15 =	vmul.f32 v22, v9  }
0x1bc: {  	(xrf2) =	vadd.scan.msk.f32 $0xffff, v18;
	s7 =	simm.s32 $0x9100;
	v22 =	vmul.f32 v23, v10;
	v23 =	vmul.f32 v36, v35  }
0x1bd: {  	v21 =	vmul.f32 v43, v41;
	v18 =	vmul.f32 v48, v46;
	[tilespmem:s7], [sflag:$0x3] =	stream.linear.gather [hbm4b:s4+s5], $0x400, $0x38;
	[tilespmem:$0x10800] =	vst v63  }
0x1be: {  	(xrf2) =	vadd.scan.msk.f32 $0xffff, v16;
	s3 =	sadd.s32 $0x18700, s4;
	s7 =	simm.s32 $0xA100;
	v17 =	vmul.f32 v23, v9;
	v23 =	vmul.f32 v24, v10;
	v15 =	vadd.f32 v22, v15  }
0x1bf: {  	v24 =	vmul.f32 v26, v10;
	v22 =	vmul.f32 v47, v45;
	[tilespmem:s7], [sflag:$0x3] =	stream.linear.gather [hbm4b:s3+s5], $0x400, $0x38;
	[tilespmem:$0x10800] =	vst v63  }
0x1c0: {  	s2 =	sadd.s32 $0x30E00, s4;
	s3 =	simm.s32 $0xB100;
	v16 =	vadd.f32 v23, v17;
	v17 =	vmul.f32 v20, v9;
	v20 =	vmul.f32 v21, v10;
	(xrf2) =	vadd.scan.msk.f32 $0xffff, v15  }
0x1c1: {  	v18 =	vmul.f32 v18, v9;
	v15 =	vadd.f32 v24, v19;
	v19 =	vmul.f32 v22, v10;
	[tilespmem:s3], [sflag:$0x3] =	stream.linear.gather [hbm4b:s2+s5], $0x400, $0x38;
	[tilespmem:$0x10800] =	vst v63  }
0x1c2: {  	(xrf2) =	vadd.scan.msk.f32 $0xffff, v16;
	v16 =	vadd.f32 v20, v17  }
0x1c3: {  	(xrf2) =	vadd.scan.msk.f32 $0xffff, v15;
	v15 =	vadd.f32 v19, v18  }
0x1c4: {  	(xrf2) =	vadd.scan.msk.f32 $0xffff, v16  }
0x1c5: {  	(xrf2) =	vadd.scan.msk.f32 $0xffff, v15  }
0x1c6: {  	s6 =	simm.s32 $0xC100;
	s4 =	sadd.s32 $0x49500, s4  }
0x1c7: {  	[tilespmem:s6], [sflag:$0x3] =	stream.linear.gather [hbm4b:s4+s5], $0x400, $0x38;
	[tilespmem:$0x10800] =	vst v63  }
0x1c8: {  	v21, _, _ =	vpop (xrf2);
	s7 =	simm.s32 $0xD100;
	s4 =	spop (v2sf)  }
0x1c9: {  	v20, _, _ =	vpop (xrf2);
	[tilespmem:s7], [sflag:$0x4] =	stream.linear.gather [hbm4b:s4+s5], $0x400, $0x38;
	[tilespmem:$0x10800] =	vst v63  }
0x1ca: {  	v22, _, _ =	vpop (xrf2);
	s3 =	sadd.s32 $0xF4280, s4;
	s7 =	simm.s32 $0xE100  }
0x1cb: {  	v18, _, _ =	vpop (xrf2);
	[tilespmem:s7], [sflag:$0x4] =	stream.linear.gather [hbm4b:s3+s5], $0x400, $0x38;
	[tilespmem:$0x10800] =	vst v63  }
0x1cc: {  	s2 =	sadd.s32 $0x1E8500, s4;
	v19, _, _ =	vpop (xrf2);
	s3 =	simm.s32 $0xF100  }
0x1cd: {  	v16, _, _ =	vpop (xrf2);
	[tilespmem:s3], [sflag:$0x4] =	stream.linear.gather [hbm4b:s2+s5], $0x400, $0x38;
	[tilespmem:$0x10800] =	vst v63  }
0x1ce: {  	s4 =	sadd.s32 $0x2DC780, s4;
	v17, _, _ =	vpop (xrf2);
	s7 =	simm.s32 $0x10100  }
0x1cf: {  	v23 =	vbroadcast v11, $0x8;
	v15, _, _ =	vpop (xrf2);
	[tilespmem:s7], [sflag:$0x4] =	stream.linear.gather [hbm4b:s4+s5], $0x400, $0x38;
	[tilespmem:$0x10800] =	vst v63  }
0x1d0: {  	_ =	swait.ge [sflag:s0], $0x4000  }
0x1d1: {  	v24 =	vbroadcast v12, $0x8;
	v25 =	vor.u32 v0, v23;
	[sflag:s0] =	ssyncset.done $0x0  }
0x1d2: {  	v23 =	vor.u32 v1, v23;
	[sflag:s0] =	ssyncadd.s32 $0xFFFFC000  }
0x1d3: {  	v27 =	vbroadcast v11, $0x9;
	v26 =	vor.u32 v0, v24;
	_ =	swait.ge [sflag:s1], $0x4000  }
0x1d4: {  	v24 =	vor.u32 v1, v24;
	[sflag:s1] =	ssyncset.done $0x0  }
0x1d5: {  	v50 =	vbroadcast v12, $0x9;
	v49 =	vor.u32 v2, v27;
	[sflag:s1] =	ssyncadd.s32 $0xFFFFC000  }
0x1d6: {  	v27 =	vor.u32 v3, v27;
	v25 =	vld.idx.msk [tilespmem:v25+s15+$0x0], $0xffff  }
0x1d7: {  	v52 =	vbroadcast v11, $0xA;
	v51 =	vor.u32 v2, v50;
	v23 =	vld.idx.msk [tilespmem:v23+s15+$0x0], $0xffff  }
0x1d8: {  	v29 =	vor.u32 v3, v50;
	v26 =	vld.idx.msk [tilespmem:v26+s19+$0x0], $0xffff  }
0x1d9: {  	v53 =	vor.u32 v4, v52;
	v54 =	vbroadcast v12, $0xA;
	v24 =	vld.idx.msk [tilespmem:v24+s19+$0x0], $0xffff  }
0x1da: {  	v31 =	vor.u32 v5, v52;
	v28 =	vld.idx.msk [tilespmem:v49+s15+$0x0], $0xffff  }
0x1db: {  	v56 =	vbroadcast v11, $0xB;
	v55 =	vor.u32 v4, v54;
	v27 =	vld.idx.msk [tilespmem:v27+s15+$0x0], $0xffff  }
0x1dc: {  	v58 =	vbroadcast v12, $0xB;
	v33 =	vor.u32 v5, v54;
	v30 =	vld.idx.msk [tilespmem:v51+s19+$0x0], $0xffff  }
0x1dd: {  	v57 =	vor.u32 v6, v56;
	v29 =	vld.idx.msk [tilespmem:v29+s19+$0x0], $0xffff  }
0x1de: {  	v59 =	vor.u32 v6, v58;
	v32 =	vld.idx.msk [tilespmem:v53+s15+$0x0], $0xffff  }
0x1df: {  	v35 =	vor.u32 v7, v56;
	v31 =	vld.idx.msk [tilespmem:v31+s15+$0x0], $0xffff  }
0x1e0: {  	v37 =	vor.u32 v7, v58;
	v34 =	vld.idx.msk [tilespmem:v55+s19+$0x0], $0xffff  }
0x1e1: {  	v33 =	vld.idx.msk [tilespmem:v33+s19+$0x0], $0xffff  }
0x1e2: {  	v36 =	vld.idx.msk [tilespmem:v57+s15+$0x0], $0xffff  }
0x1e3: {  	v38 =	vld.idx.msk [tilespmem:v59+s19+$0x0], $0xffff  }
0x1e4: {  	v35 =	vld.idx.msk [tilespmem:v35+s15+$0x0], $0xffff  }
0x1e5: {  	v25 =	vmul.f32 v26, v25;
	v23 =	vmul.f32 v24, v23;
	v24 =	vld.idx.msk [tilespmem:v37+s19+$0x0], $0xffff  }
0x1e6: {  	v26 =	vmul.f32 v30, v28;
	v27 =	vmul.f32 v29, v27  }
0x1e7: {  	v60 =	vmul.f32 v34, v32;
	v61 =	vmul.f32 v33, v31  }
0x1e8: {  	v62 =	vmul.f32 v38, v36;
	v25 =	vmul.f32 v25, v9  }
0x1e9: {  	v23 =	vmul.f32 v23, v10;
	v26 =	vmul.f32 v26, v9  }
0x1ea: {  	v27 =	vmul.f32 v27, v10;
	v24 =	vmul.f32 v24, v35  }
0x1eb: {  	v63 =	vmul.f32 v61, v10;
	v23 =	vadd.f32 v23, v25;
	v25 =	vmul.f32 v60, v9  }
0x1ec: {  	v26 =	vadd.f32 v27, v26;
	v27 =	vmul.f32 v62, v9;
	v24 =	vmul.f32 v24, v10  }
0x1ed: {  	(xrf2) =	vadd.scan.msk.f32 $0xffff, v23;
	v23 =	vadd.f32 v63, v25  }
0x1ee: {  	(xrf2) =	vadd.scan.msk.f32 $0xffff, v26;
	v24 =	vadd.f32 v24, v27  }
0x1ef: {  	(xrf2) =	vadd.scan.msk.f32 $0xffff, v23  }
0x1f0: {  	(xrf2) =	vadd.scan.msk.f32 $0xffff, v24;
	_ =	sdelay $0x4  }
0x1f1: {  	p0 =	seq.s32 s30, $0x7C0  }
.Ltmp4:
0x1f2: {  	_ = 	snop;
	(pc) =	sbr.rel @p0 .LBB2_4-.Ltmp4, $4  }
0x1f3: {  	v26, _, _ =	vpop (xrf2)  }
0x1f4: {  	v25, _, _ =	vpop (xrf2)  }
0x1f5: {  	v24, _, _ =	vpop (xrf2)  }
0x1f6: {  	s0 =	simm.s32 $0x3;
	s1 =	simm.s32 $0x4;
	v23, _, _ =	vpop (xrf2)  }
0x1f7: {  	v14 =	vand.u32 $0xFFFFFF80, v14;
	s4 =	rddreg [dreg:$0x2]  }
0x1f8: {  	v14 =	vadd.s32 s4, v14  }
0x1f9: {  	(v2sf) =	vpush v14, $0x0;
	_ =	sdelay $0x5  }
0x1fa: {  	v13 =	vand.u32 $0xFFFFFF80, v13;
	s7 =	rddreg [dreg:$0x3]  }
0x1fb: {  	v13 =	vadd.s32 s7, v13  }
0x1fc: {  	(v2sf) =	vpush v13, $0x0;
	_ =	sdelay $0x6  }
0x1fd: {  	s0 =	spop (v2sf)  }
0x1fe: {  	(v2sf) =	vpush v14, $0x1;
	[tilespmem:s15], [sflag:$0x1] =	stream.linear.gather [hbm4b:s0+s5], $0x400, $0x38;
	[tilespmem:$0x10800] =	vst v63  }
0x1ff: {  	s2 =	simm.s32 $0x1500;
	s6 =	sadd.s32 $0x18700, s0  }
0x200: {  	[tilespmem:s2], [sflag:$0x1] =	stream.linear.gather [hbm4b:s6+s5], $0x400, $0x38;
	[tilespmem:$0x10800] =	vst v63  }
0x201: {  	s3 =	simm.s32 $0x2500;
	s2 =	sadd.s32 $0x30E00, s0  }
0x202: {  	[tilespmem:s3], [sflag:$0x1] =	stream.linear.gather [hbm4b:s2+s5], $0x400, $0x38;
	[tilespmem:$0x10800] =	vst v63  }
0x203: {  	s4 =	sadd.s32 $0x49500, s0;
	s6 =	simm.s32 $0x3500  }
0x204: {  	[tilespmem:s6], [sflag:$0x1] =	stream.linear.gather [hbm4b:s4+s5], $0x400, $0x38;
	[tilespmem:$0x10800] =	vst v63  }
0x205: {  	s4 =	spop (v2sf)  }
0x206: {  	(v2sf) =	vpush v13, $0x1;
	[tilespmem:s19], [sflag:$0x2] =	stream.linear.gather [hbm4b:s4+s5], $0x400, $0x38;
	[tilespmem:$0x10800] =	vst v63  }
0x207: {  	s0 =	simm.s32 $0x5500;
	s7 =	sadd.s32 $0xF4280, s4  }
0x208: {  	[tilespmem:s0], [sflag:$0x2] =	stream.linear.gather [hbm4b:s7+s5], $0x400, $0x38;
	[tilespmem:$0x10800] =	vst v63  }
0x209: {  	s3 =	simm.s32 $0x6500;
	s2 =	sadd.s32 $0x1E8500, s4  }
0x20a: {  	[tilespmem:s3], [sflag:$0x2] =	stream.linear.gather [hbm4b:s2+s5], $0x400, $0x38;
	[tilespmem:$0x10800] =	vst v63  }
0x20b: {  	s4 =	sadd.s32 $0x2DC780, s4;
	s7 =	simm.s32 $0x7500  }
0x20c: {  	[tilespmem:s7], [sflag:$0x2] =	stream.linear.gather [hbm4b:s4+s5], $0x400, $0x38;
	[tilespmem:$0x10800] =	vst v63  }
0x20d: {  	s0 =	simm.s32 $0x900;
	s4 =	spop (v2sf)  }
0x20e: {  	(v2sf) =	vpush v14, $0x2;
	[tilespmem:s0], [sflag:$0x1] =	stream.linear.gather [hbm4b:s4+s5], $0x400, $0x38;
	[tilespmem:$0x10800] =	vst v63  }
0x20f: {  	s3 =	simm.s32 $0x1900;
	s2 =	sadd.s32 $0x18700, s4  }
0x210: {  	[tilespmem:s3], [sflag:$0x1] =	stream.linear.gather [hbm4b:s2+s5], $0x400, $0x38;
	[tilespmem:$0x10800] =	vst v63  }
0x211: {  	s7 =	sadd.s32 $0x30E00, s4;
	s0 =	simm.s32 $0x2900  }
0x212: {  	[tilespmem:s0], [sflag:$0x1] =	stream.linear.gather [hbm4b:s7+s5], $0x400, $0x38;
	[tilespmem:$0x10800] =	vst v63  }
0x213: {  	s4 =	sadd.s32 $0x49500, s4;
	s3 =	simm.s32 $0x3900  }
0x214: {  	[tilespmem:s3], [sflag:$0x1] =	stream.linear.gather [hbm4b:s4+s5], $0x400, $0x38;
	[tilespmem:$0x10800] =	vst v63  }
0x215: {  	s6 =	simm.s32 $0x4900;
	s4 =	spop (v2sf)  }
0x216: {  	(v2sf) =	vpush v13, $0x2;
	[tilespmem:s6], [sflag:$0x2] =	stream.linear.gather [hbm4b:s4+s5], $0x400, $0x38;
	[tilespmem:$0x10800] =	vst v63  }
0x217: {  	s0 =	simm.s32 $0x5900;
	s7 =	sadd.s32 $0xF4280, s4  }
0x218: {  	[tilespmem:s0], [sflag:$0x2] =	stream.linear.gather [hbm4b:s7+s5], $0x400, $0x38;
	[tilespmem:$0x10800] =	vst v63  }
0x219: {  	s3 =	simm.s32 $0x6900;
	s2 =	sadd.s32 $0x1E8500, s4  }
0x21a: {  	[tilespmem:s3], [sflag:$0x2] =	stream.linear.gather [hbm4b:s2+s5], $0x400, $0x38;
	[tilespmem:$0x10800] =	vst v63  }
0x21b: {  	s4 =	sadd.s32 $0x2DC780, s4;
	s7 =	simm.s32 $0x7900  }
0x21c: {  	[tilespmem:s7], [sflag:$0x2] =	stream.linear.gather [hbm4b:s4+s5], $0x400, $0x38;
	[tilespmem:$0x10800] =	vst v63  }
0x21d: {  	s0 =	simm.s32 $0xD00;
	s4 =	spop (v2sf)  }
0x21e: {  	(v2sf) =	vpush v14, $0x3;
	[tilespmem:s0], [sflag:$0x1] =	stream.linear.gather [hbm4b:s4+s5], $0x400, $0x38;
	[tilespmem:$0x10800] =	vst v63  }
0x21f: {  	s3 =	simm.s32 $0x1D00;
	s2 =	sadd.s32 $0x18700, s4  }
0x220: {  	[tilespmem:s3], [sflag:$0x1] =	stream.linear.gather [hbm4b:s2+s5], $0x400, $0x38;
	[tilespmem:$0x10800] =	vst v63  }
0x221: {  	s7 =	sadd.s32 $0x30E00, s4;
	s0 =	simm.s32 $0x2D00  }
0x222: {  	[tilespmem:s0], [sflag:$0x1] =	stream.linear.gather [hbm4b:s7+s5], $0x400, $0x38;
	[tilespmem:$0x10800] =	vst v63  }
0x223: {  	s4 =	sadd.s32 $0x49500, s4;
	s3 =	simm.s32 $0x3D00  }
0x224: {  	[tilespmem:s3], [sflag:$0x1] =	stream.linear.gather [hbm4b:s4+s5], $0x400, $0x38;
	[tilespmem:$0x10800] =	vst v63  }
0x225: {  	s6 =	simm.s32 $0x4D00;
	s4 =	spop (v2sf)  }
0x226: {  	(v2sf) =	vpush v13, $0x3;
	[tilespmem:s6], [sflag:$0x2] =	stream.linear.gather [hbm4b:s4+s5], $0x400, $0x38;
	[tilespmem:$0x10800] =	vst v63  }
0x227: {  	s0 =	simm.s32 $0x5D00;
	s7 =	sadd.s32 $0xF4280, s4  }
0x228: {  	[tilespmem:s0], [sflag:$0x2] =	stream.linear.gather [hbm4b:s7+s5], $0x400, $0x38;
	[tilespmem:$0x10800] =	vst v63  }
0x229: {  	s3 =	simm.s32 $0x6D00;
	s2 =	sadd.s32 $0x1E8500, s4  }
0x22a: {  	[tilespmem:s3], [sflag:$0x2] =	stream.linear.gather [hbm4b:s2+s5], $0x400, $0x38;
	[tilespmem:$0x10800] =	vst v63  }
0x22b: {  	s4 =	sadd.s32 $0x2DC780, s4;
	s7 =	simm.s32 $0x7D00  }
0x22c: {  	[tilespmem:s7], [sflag:$0x2] =	stream.linear.gather [hbm4b:s4+s5], $0x400, $0x38;
	[tilespmem:$0x10800] =	vst v63  }
0x22d: {  	s0 =	simm.s32 $0x1100;
	s4 =	spop (v2sf)  }
0x22e: {  	[tilespmem:s0], [sflag:$0x1] =	stream.linear.gather [hbm4b:s4+s5], $0x400, $0x38;
	[tilespmem:$0x10800] =	vst v63  }
0x22f: {  	s3 =	simm.s32 $0x2100;
	s2 =	sadd.s32 $0x18700, s4  }
0x230: {  	[tilespmem:s3], [sflag:$0x1] =	stream.linear.gather [hbm4b:s2+s5], $0x400, $0x38;
	[tilespmem:$0x10800] =	vst v63  }
0x231: {  	s7 =	sadd.s32 $0x30E00, s4;
	s0 =	simm.s32 $0x3100  }
0x232: {  	[tilespmem:s0], [sflag:$0x1] =	stream.linear.gather [hbm4b:s7+s5], $0x400, $0x38;
	[tilespmem:$0x10800] =	vst v63  }
0x233: {  	s4 =	sadd.s32 $0x49500, s4;
	s3 =	simm.s32 $0x4100  }
0x234: {  	[tilespmem:s3], [sflag:$0x1] =	stream.linear.gather [hbm4b:s4+s5], $0x400, $0x38;
	[tilespmem:$0x10800] =	vst v63  }
0x235: {  	s6 =	simm.s32 $0x5100;
	s4 =	spop (v2sf)  }
0x236: {  	[tilespmem:s6], [sflag:$0x2] =	stream.linear.gather [hbm4b:s4+s5], $0x400, $0x38;
	[tilespmem:$0x10800] =	vst v63  }
0x237: {  	s0 =	simm.s32 $0x6100;
	s7 =	sadd.s32 $0xF4280, s4  }
0x238: {  	[tilespmem:s0], [sflag:$0x2] =	stream.linear.gather [hbm4b:s7+s5], $0x400, $0x38;
	[tilespmem:$0x10800] =	vst v63  }
.Ltmp5:
0x239: {  	_ = 	snop;
	(pc) =	sbr.rel .LBB2_4-.Ltmp5, $4  }
0x23a: {  	s3 =	simm.s32 $0x7100;
	s2 =	sadd.s32 $0x1E8500, s4  }
0x23b: {  	[tilespmem:s3], [sflag:$0x2] =	stream.linear.gather [hbm4b:s2+s5], $0x400, $0x38;
	[tilespmem:$0x10800] =	vst v63  }
0x23c: {  	s4 =	sadd.s32 $0x2DC780, s4;
	s7 =	simm.s32 $0x8100;
	s0 =	simm.s32 $0x3  }
0x23d: {  	[tilespmem:s7], [sflag:$0x2] =	stream.linear.gather [hbm4b:s4+s5], $0x400, $0x38;
	[tilespmem:$0x10800] =	vst v63  }
.LBB2_6:
0x23e: {  	_ =	sfence.sel $0x180000  }
0x23f: {  	[bflag:$0x0] =	sbarrier.arrive $0xFFFF  }
0x240: {  	_ =	strace $0x90000047  }
0x241: {  	s0 =	stileid.u32;
	[bflag:$0x2] =	sbarrier.arrive $0xFFFF  }
0x242: {  	p0 =	sne.s32 s0, $0x0;
	s0 =	rddreg [dreg:$0x7]  }
0x243: {  	s0 =	sadd.s32 @!p0 $0x100000, s0  }
0x244: {  	[sflag:s0] =	ssyncadd.tile.s32 @!p0 $0x1;
	_ =	shalt  }
.Lfunc_end2:
_tile_overlayer_lowered:
.L_overlay_start_2:
0x245: {  	(tag) =	ssettag $0x2  }
0x246: {  	s0 =	rddreg [dreg:$0x0];
	s2 =	stileid.u32  }
0x247: {  	s1 =	rddreg [dreg:$0x1];
	p0 =	sne.s32 s2, $0x0  }
0x248: {  	s3 =	rddreg [dreg:$0x2];
	[bflag:$0x3] =	sbarrier.arrive $0xFFFF;
	s2 =	simm.s32 @!p0 $0x1C05  }
0x249: {  	[timem:s3], [sflag:s2] =	dma.local @!p0 [hbm:s0], s1  }
0x24a: {  	s0 =	simm.s32 @!p0 $0x5  }
0x24b: {  	_ =	swait.ge @!p0 [sflag:s0], s1  }
0x24c: {  	s1 =	ssub.s32 @!p0 $0x0, s1;
	[sflag:s0] =	ssyncset.done @!p0 $0x0  }
0x24d: {  	[sflag:s0] =	ssyncadd.s32 @!p0 s1  }
0x24e: {  	[bflag:$0x3] =	sbarrier.arrive $0xFFFF  }
0x24f: {  	_ =	shalt  }

</sc_bundles>
